<compile_context>
chip_gen: v7x
topology: tpu7x:2x2x1
jax: 0.10.2.dev20260603
libtpu: 0.0.44.dev20260713+nightly
codegen_flags: <defaults>
</compile_context>

<pallas_src>
import functools

import jax
import jax.numpy as jnp
from jax import lax
from jax.experimental import pallas as pl
from jax.experimental.pallas import tpu as pltpu
from jax.experimental.pallas import tpu_sc as plsc

N = 10000
D = 128
E = 320000
NW = 32
CHUNK = 128
CPT = 80
E_PAD = NW * CPT * CHUNK
N_ACC = 10240
GROUP = 32
K0 = 128
K1 = 2 * CPT - K0

_mesh = plsc.VectorSubcoreMesh(core_axis_name="c", subcore_axis_name="s")



_NP128 = N_ACC // 128


@functools.partial(
    pl.kernel,
    mesh=_mesh,
    out_type=jax.ShapeDtypeStruct((2 * N_ACC,), jnp.float32),
    scratch_types=[
        pltpu.VMEM((CPT, CHUNK), jnp.int32),
        pltpu.VMEM((CHUNK,), jnp.float32),
        pltpu.VMEM_SHARED((N_ACC,), jnp.float32),
    ],
)
def _deg_call(dst_hbm, zeros_hbm, ones_hbm, out_hbm, idx_v, ones_v, deg_sh):
    cid = lax.axis_index("c")
    sid = lax.axis_index("s")
    wid = cid * 16 + sid

    for k in range(5):
        p = sid + k * 16

        @pl.when(p < _NP128)
        def _():
            pltpu.sync_copy(zeros_hbm.at[pl.ds(p * 128, 128)],
                            deg_sh.at[pl.ds(p * 128, 128)])

    pltpu.sync_copy(ones_hbm, ones_v)
    pltpu.sync_copy(dst_hbm.at[pl.ds(wid * CPT, CPT)], idx_v)
    plsc.subcore_barrier()

    def chunk(j, carry):
        pltpu.sync_copy(ones_v, deg_sh.at[idx_v.at[j]], add=True)
        return carry

    lax.fori_loop(0, CPT, chunk, 0)
    plsc.subcore_barrier()
    for k in range(5):
        p = sid + k * 16

        @pl.when(p < _NP128)
        def _():
            pltpu.sync_copy(deg_sh.at[pl.ds(p * 128, 128)],
                            out_hbm.at[pl.ds(cid * N_ACC + p * 128, 128)])


@functools.partial(
    pl.kernel,
    mesh=_mesh,
    out_type=jax.ShapeDtypeStruct((2, N_ACC, D), jnp.float32),
    scratch_types=[
        pltpu.VMEM((GROUP, CHUNK), jnp.int32),
        pltpu.VMEM((GROUP, CHUNK), jnp.int32),
        pltpu.VMEM((CHUNK, D), jnp.float32),
        pltpu.VMEM((CHUNK, D), jnp.float32),
        pltpu.VMEM_SHARED((N_ACC, D), jnp.float32),
        pltpu.SemaphoreType.DMA,
        pltpu.SemaphoreType.DMA,
    ],
)
def _edge_call(g_hbm, src_hbm, dst_hbm, out_hbm,
               sidx_v, didx_v, rows0_v, rows1_v, acc_sh, sem0, sem1):
    cid = lax.axis_index("c")
    sid = lax.axis_index("s")

    def zrow(i, c):
        rows0_v[i // 8, pl.ds((i % 8) * 16, 16)] = jnp.zeros((16,), jnp.float32)
        return c

    lax.fori_loop(0, CHUNK * 8, zrow, 0)
    for k in range(5):
        pltpu.sync_copy(rows0_v, acc_sh.at[pl.ds(sid * 640 + k * 128, 128)])
    plsc.subcore_barrier()

    ngroups = jnp.where(cid == 0, K0 // GROUP, K1 // GROUP)
    tile_base = sid * (2 * CPT) + jnp.where(cid == 0, 0, K0)

    def group(g, carry):
        base = pl.multiple_of(tile_base + g * GROUP, 8)
        pltpu.sync_copy(src_hbm.at[pl.ds(base, GROUP)], sidx_v)
        pltpu.sync_copy(dst_hbm.at[pl.ds(base, GROUP)], didx_v)
        pltpu.async_copy(g_hbm.at[cid].at[sidx_v.at[0]], rows0_v, sem0)

        def pair(t, carry2):
            j0 = 2 * t
            j1 = j0 + 1
            pltpu.async_copy(g_hbm.at[cid].at[sidx_v.at[j1]], rows1_v, sem1)
            pltpu.make_async_copy(g_hbm.at[cid].at[sidx_v.at[j0]], rows0_v,
                                  sem0).wait()
            pltpu.sync_copy(rows0_v, acc_sh.at[didx_v.at[j0]], add=True)

            @pl.when(j0 + 2 < GROUP)
            def _():
                pltpu.async_copy(g_hbm.at[cid].at[sidx_v.at[j0 + 2]],
                                 rows0_v, sem0)

            pltpu.make_async_copy(g_hbm.at[cid].at[sidx_v.at[j1]], rows1_v,
                                  sem1).wait()
            pltpu.sync_copy(rows1_v, acc_sh.at[didx_v.at[j1]], add=True)
            return carry2

        lax.fori_loop(0, GROUP // 2, pair, 0)
        return carry

    lax.fori_loop(0, ngroups, group, 0)
    plsc.subcore_barrier()
    pltpu.sync_copy(acc_sh.at[pl.ds(sid * 640, 640)],
                    out_hbm.at[cid, pl.ds(sid * 640, 640)])



def _matmul_body(x_ref, w_ref, z_ref):
    z_ref[...] = jnp.dot(x_ref[...], w_ref[...],
                         preferred_element_type=jnp.float32)


_matmul = pl.pallas_call(
    _matmul_body,
    out_shape=jax.ShapeDtypeStruct((N, D), jnp.float32),
)


def _scale_body(z_ref, dega_ref, degb_ref, g_ref, dinv_ref):
    dinv = lax.rsqrt(dega_ref[...] + degb_ref[...] + 1.0)
    dinv_ref[...] = dinv
    g = z_ref[...] * dinv
    g_ref[0] = g
    g_ref[1] = g


_scale = pl.pallas_call(
    _scale_body,
    out_shape=(jax.ShapeDtypeStruct((2, N, D), jnp.float32),
               jax.ShapeDtypeStruct((N, 1), jnp.float32)),
)


def _stage2_body(s1_ref, g1_ref, dinv_ref, b1_ref, wcat_ref, g2_ref):
    dinv = dinv_ref[...]
    h = jnp.maximum(
        dinv * (s1_ref[0, :N] + s1_ref[1, :N] + g1_ref[0]) + b1_ref[...], 0.0)
    g2 = jnp.dot(h, wcat_ref[...], preferred_element_type=jnp.float32) * dinv
    g2_ref[0] = g2
    g2_ref[1] = g2


_stage2 = pl.pallas_call(
    _stage2_body,
    out_shape=jax.ShapeDtypeStruct((2, N, D), jnp.float32),
)


def _stage3_body(s2_ref, g2_ref, dinv_ref, bcat_ref, mu_ref, ls_ref):
    out = (dinv_ref[...] * (s2_ref[0, :N] + s2_ref[1, :N] + g2_ref[0])
           + bcat_ref[...])
    mu_ref[...] = out[:, :64]
    ls_ref[...] = out[:, 64:]


_stage3 = pl.pallas_call(
    _stage3_body,
    out_shape=(jax.ShapeDtypeStruct((N, 64), jnp.float32),
               jax.ShapeDtypeStruct((N, 64), jnp.float32)),
)



def kernel(x, edge_index, W1, b1, W_mu, b_mu, W_ls, b_ls):
    src = edge_index[0]
    dst = edge_index[1]
    pad = E_PAD - E
    src_p = jnp.concatenate(
        [src, jnp.zeros((pad,), jnp.int32)]).reshape(NW * CPT, CHUNK)
    trash = N + jnp.arange(pad, dtype=jnp.int32) % (N_ACC - N)
    dst_p = jnp.concatenate([dst, trash]).reshape(NW * CPT, CHUNK)
    zeros1 = jnp.zeros((N_ACC,), jnp.float32)
    ones1 = jnp.ones((CHUNK,), jnp.float32)

    degs = _deg_call(dst_p, zeros1, ones1).reshape(2, N_ACC)
    z1 = _matmul(x, W1)
    g1d, dinv = _scale(z1, degs[0, :N, None], degs[1, :N, None])
    S1 = _edge_call(g1d, src_p, dst_p)
    wcat = jnp.concatenate([W_mu, W_ls], axis=1)
    g2d = _stage2(S1, g1d, dinv, b1.reshape(1, D), wcat)
    S2 = _edge_call(g2d, src_p, dst_p)
    bcat = jnp.concatenate([b_mu, b_ls]).reshape(1, D)
    return _stage3(S2, g2d, dinv, bcat)

# --- scband reference (transcript-rebuilt; emitter-appended) ---
"""Pipeline reference for scband-variational-gnnencoder-5257039970769 (READ-ONLY COPY).

The authoritative reference and input builder live on the scoring server;
editing this copy changes nothing except your own understanding.
"""

import jax, jax.numpy as jnp
import numpy as np

N = 10000
E = 320000
D_IN = 128
D_HID = 128  # 2 * out_channels
D_OUT = 64


def _gcn_conv(x, src, dst, W, b):
    # PyG GCNConv: h = x @ W; propagate with sym-normalized A+I; add bias
    h = x @ W
    loop = jnp.arange(N, dtype=src.dtype)
    s = jnp.concatenate([src, loop])
    d = jnp.concatenate([dst, loop])
    ones = jnp.ones(s.shape[0], dtype=h.dtype)
    deg = jax.ops.segment_sum(ones, d, num_segments=N)
    dinv = jnp.where(deg > 0, 1.0 / jnp.sqrt(deg), 0.0)
    norm = dinv[s] * dinv[d]
    msg = h[s] * norm[:, None]
    out = jax.ops.segment_sum(msg, d, num_segments=N)
    return out + b


def setup_inputs(seed: int = 0):
    key = jax.random.key(seed)
    ks = jax.random.split(key, 8)
    x = jax.random.normal(ks[0], (N, D_IN), dtype=jnp.float32)
    edge_index = jax.random.randint(ks[1], (2, E), 0, N, dtype=jnp.int32)
    s1 = 1.0 / np.sqrt(D_IN)
    s2 = 1.0 / np.sqrt(D_HID)
    W1 = jax.random.uniform(ks[2], (D_IN, D_HID), jnp.float32, -s1, s1)
    b1 = jnp.zeros((D_HID,), jnp.float32)
    W_mu = jax.random.uniform(ks[3], (D_HID, D_OUT), jnp.float32, -s2, s2)
    b_mu = jnp.zeros((D_OUT,), jnp.float32)
    W_ls = jax.random.uniform(ks[4], (D_HID, D_OUT), jnp.float32, -s2, s2)
    b_ls = jnp.zeros((D_OUT,), jnp.float32)
    return {"x": x, "edge_index": edge_index, "W1": W1, "b1": b1,
            "W_mu": W_mu, "b_mu": b_mu, "W_ls": W_ls, "b_ls": b_ls}


def reference(x, edge_index, W1, b1, W_mu, b_mu, W_ls, b_ls):
    src = edge_index[0]
    dst = edge_index[1]
    h = _gcn_conv(x, src, dst, W1, b1)
    h = jax.nn.relu(h)
    mu = _gcn_conv(h, src, dst, W_mu, b_mu)
    logstd = _gcn_conv(h, src, dst, W_ls, b_ls)
    return (mu, logstd)

if __name__ == "__main__":
    import jax
    _d = setup_inputs()
    print(jax.jit(kernel)(*tuple(_d.values())))

</pallas_src>

<mosaic_0001>
#map = affine_map<(d0, d1) -> (0, 0)>
#map1 = affine_map<(d0, d1) -> (0)>
module attributes {stable_mosaic.version = 14 : i64} {
  func.func @_deg_call(%arg0: i32, %arg1: i32, %arg2: memref<2560x128xi32, #tpu.memory_space<hbm>>, %arg3: memref<10240xf32, #tpu.memory_space<hbm>>, %arg4: memref<128xf32, #tpu.memory_space<hbm>>, %arg5: memref<20480xf32, #tpu.memory_space<hbm>>, %arg6: memref<80x128xi32, #tpu.memory_space<vmem>>, %arg7: memref<128xf32, #tpu.memory_space<vmem>>, %arg8: memref<10240xf32, #tpu.memory_space<vmem_shared>>) attributes {dimension_semantics = [#tpu.dimension_semantics<core_parallel>, #tpu.dimension_semantics<subcore_parallel>], iteration_bounds = array<i64: 2, 16>, scalar_prefetch = 0 : i64, scratch_operands = 3 : i64, tpu.core_type = #tpu.core_type<sc_vector_subcore>, window_params = [{transform_indices = #map}, {transform_indices = #map1}, {transform_indices = #map1}, {transform_indices = #map1}]} {
    %mul3A = arith.constant 16 : i32
    %mul3A_0 = arith.muli %arg0, %mul3A : i32
    %add3A = arith.addi %mul3A_0, %arg1 : i32
    %add3A_1 = arith.constant 0 : i32
    %add3A_2 = arith.addi %arg1, %add3A_1 : i32
    %lt3A = arith.constant 80 : i32
    %lt3A_3 = arith.cmpi slt, %add3A_2, %lt3A : i32
    %convert_element_type3A = arith.extui %lt3A_3 : i1 to i32
    %cond3A = arith.constant 0 : i32
    %cond3A_4 = arith.cmpi ne, %convert_element_type3A, %cond3A : i32
    scf.if %cond3A_4 {
      %mul3A_76 = arith.constant 128 : i32
      %mul3A_77 = arith.muli %add3A_2, %mul3A_76 : i32
      %mul3A_78 = arith.constant 128 : i32
      %mul3A_79 = arith.muli %add3A_2, %mul3A_78 : i32
      "tpu.region"() ({
        %run_scoped3A = tpu.sem_alloc : memref<!tpu.dma_semaphore, #tpu.memory_space<semaphore_mem>>
        %dma_start3A = tpu.memref_slice %arg8[%mul3A_79] : memref<10240xf32, #tpu.memory_space<vmem_shared>> -> memref<128xf32, #tpu.memory_space<vmem_shared>>
        %dma_start3A_80 = tpu.memref_slice %arg3[%mul3A_77] : memref<10240xf32, #tpu.memory_space<hbm>> -> memref<128xf32, #tpu.memory_space<hbm>>
        tpu.enqueue_dma source(%dma_start3A_80 : memref<128xf32, #tpu.memory_space<hbm>>) target(%dma_start3A : memref<128xf32, #tpu.memory_space<vmem_shared>>) target_semaphore(%run_scoped3A : memref<!tpu.dma_semaphore, #tpu.memory_space<semaphore_mem>>)
        %dma_wait3A = tpu.memref_slice %arg8[%mul3A_79] : memref<10240xf32, #tpu.memory_space<vmem_shared>> -> memref<128xf32, #tpu.memory_space<vmem_shared>>
        %dma_wait3A_81 = tpu.memref_slice %arg3[%mul3A_77] : memref<10240xf32, #tpu.memory_space<hbm>> -> memref<128xf32, #tpu.memory_space<hbm>>
        tpu.wait_dma2 semaphore(%run_scoped3A : memref<!tpu.dma_semaphore, #tpu.memory_space<semaphore_mem>>) src(%dma_wait3A_81 : memref<128xf32, #tpu.memory_space<hbm>>) dst(%dma_wait3A : memref<128xf32, #tpu.memory_space<vmem_shared>>)
        tpu.yield
      }) : () -> ()
    } else {
    }
    %add3A_5 = arith.constant 16 : i32
    %add3A_6 = arith.addi %arg1, %add3A_5 : i32
    %lt3A_7 = arith.constant 80 : i32
    %lt3A_8 = arith.cmpi slt, %add3A_6, %lt3A_7 : i32
    %convert_element_type3A_9 = arith.extui %lt3A_8 : i1 to i32
    %cond3A_10 = arith.constant 0 : i32
    %cond3A_11 = arith.cmpi ne, %convert_element_type3A_9, %cond3A_10 : i32
    scf.if %cond3A_11 {
      %mul3A_76 = arith.constant 128 : i32
      %mul3A_77 = arith.muli %add3A_6, %mul3A_76 : i32
      %mul3A_78 = arith.constant 128 : i32
      %mul3A_79 = arith.muli %add3A_6, %mul3A_78 : i32
      "tpu.region"() ({
        %run_scoped3A = tpu.sem_alloc : memref<!tpu.dma_semaphore, #tpu.memory_space<semaphore_mem>>
        %dma_start3A = tpu.memref_slice %arg8[%mul3A_79] : memref<10240xf32, #tpu.memory_space<vmem_shared>> -> memref<128xf32, #tpu.memory_space<vmem_shared>>
        %dma_start3A_80 = tpu.memref_slice %arg3[%mul3A_77] : memref<10240xf32, #tpu.memory_space<hbm>> -> memref<128xf32, #tpu.memory_space<hbm>>
        tpu.enqueue_dma source(%dma_start3A_80 : memref<128xf32, #tpu.memory_space<hbm>>) target(%dma_start3A : memref<128xf32, #tpu.memory_space<vmem_shared>>) target_semaphore(%run_scoped3A : memref<!tpu.dma_semaphore, #tpu.memory_space<semaphore_mem>>)
        %dma_wait3A = tpu.memref_slice %arg8[%mul3A_79] : memref<10240xf32, #tpu.memory_space<vmem_shared>> -> memref<128xf32, #tpu.memory_space<vmem_shared>>
        %dma_wait3A_81 = tpu.memref_slice %arg3[%mul3A_77] : memref<10240xf32, #tpu.memory_space<hbm>> -> memref<128xf32, #tpu.memory_space<hbm>>
        tpu.wait_dma2 semaphore(%run_scoped3A : memref<!tpu.dma_semaphore, #tpu.memory_space<semaphore_mem>>) src(%dma_wait3A_81 : memref<128xf32, #tpu.memory_space<hbm>>) dst(%dma_wait3A : memref<128xf32, #tpu.memory_space<vmem_shared>>)
        tpu.yield
      }) : () -> ()
    } else {
    }
    %add3A_12 = arith.constant 32 : i32
    %add3A_13 = arith.addi %arg1, %add3A_12 : i32
    %lt3A_14 = arith.constant 80 : i32
    %lt3A_15 = arith.cmpi slt, %add3A_13, %lt3A_14 : i32
    %convert_element_type3A_16 = arith.extui %lt3A_15 : i1 to i32
    %cond3A_17 = arith.constant 0 : i32
    %cond3A_18 = arith.cmpi ne, %convert_element_type3A_16, %cond3A_17 : i32
    scf.if %cond3A_18 {
      %mul3A_76 = arith.constant 128 : i32
      %mul3A_77 = arith.muli %add3A_13, %mul3A_76 : i32
      %mul3A_78 = arith.constant 128 : i32
      %mul3A_79 = arith.muli %add3A_13, %mul3A_78 : i32
      "tpu.region"() ({
        %run_scoped3A = tpu.sem_alloc : memref<!tpu.dma_semaphore, #tpu.memory_space<semaphore_mem>>
        %dma_start3A = tpu.memref_slice %arg8[%mul3A_79] : memref<10240xf32, #tpu.memory_space<vmem_shared>> -> memref<128xf32, #tpu.memory_space<vmem_shared>>
        %dma_start3A_80 = tpu.memref_slice %arg3[%mul3A_77] : memref<10240xf32, #tpu.memory_space<hbm>> -> memref<128xf32, #tpu.memory_space<hbm>>
        tpu.enqueue_dma source(%dma_start3A_80 : memref<128xf32, #tpu.memory_space<hbm>>) target(%dma_start3A : memref<128xf32, #tpu.memory_space<vmem_shared>>) target_semaphore(%run_scoped3A : memref<!tpu.dma_semaphore, #tpu.memory_space<semaphore_mem>>)
        %dma_wait3A = tpu.memref_slice %arg8[%mul3A_79] : memref<10240xf32, #tpu.memory_space<vmem_shared>> -> memref<128xf32, #tpu.memory_space<vmem_shared>>
        %dma_wait3A_81 = tpu.memref_slice %arg3[%mul3A_77] : memref<10240xf32, #tpu.memory_space<hbm>> -> memref<128xf32, #tpu.memory_space<hbm>>
        tpu.wait_dma2 semaphore(%run_scoped3A : memref<!tpu.dma_semaphore, #tpu.memory_space<semaphore_mem>>) src(%dma_wait3A_81 : memref<128xf32, #tpu.memory_space<hbm>>) dst(%dma_wait3A : memref<128xf32, #tpu.memory_space<vmem_shared>>)
        tpu.yield
      }) : () -> ()
    } else {
    }
    %add3A_19 = arith.constant 48 : i32
    %add3A_20 = arith.addi %arg1, %add3A_19 : i32
    %lt3A_21 = arith.constant 80 : i32
    %lt3A_22 = arith.cmpi slt, %add3A_20, %lt3A_21 : i32
    %convert_element_type3A_23 = arith.extui %lt3A_22 : i1 to i32
    %cond3A_24 = arith.constant 0 : i32
    %cond3A_25 = arith.cmpi ne, %convert_element_type3A_23, %cond3A_24 : i32
    scf.if %cond3A_25 {
      %mul3A_76 = arith.constant 128 : i32
      %mul3A_77 = arith.muli %add3A_20, %mul3A_76 : i32
      %mul3A_78 = arith.constant 128 : i32
      %mul3A_79 = arith.muli %add3A_20, %mul3A_78 : i32
      "tpu.region"() ({
        %run_scoped3A = tpu.sem_alloc : memref<!tpu.dma_semaphore, #tpu.memory_space<semaphore_mem>>
        %dma_start3A = tpu.memref_slice %arg8[%mul3A_79] : memref<10240xf32, #tpu.memory_space<vmem_shared>> -> memref<128xf32, #tpu.memory_space<vmem_shared>>
        %dma_start3A_80 = tpu.memref_slice %arg3[%mul3A_77] : memref<10240xf32, #tpu.memory_space<hbm>> -> memref<128xf32, #tpu.memory_space<hbm>>
        tpu.enqueue_dma source(%dma_start3A_80 : memref<128xf32, #tpu.memory_space<hbm>>) target(%dma_start3A : memref<128xf32, #tpu.memory_space<vmem_shared>>) target_semaphore(%run_scoped3A : memref<!tpu.dma_semaphore, #tpu.memory_space<semaphore_mem>>)
        %dma_wait3A = tpu.memref_slice %arg8[%mul3A_79] : memref<10240xf32, #tpu.memory_space<vmem_shared>> -> memref<128xf32, #tpu.memory_space<vmem_shared>>
        %dma_wait3A_81 = tpu.memref_slice %arg3[%mul3A_77] : memref<10240xf32, #tpu.memory_space<hbm>> -> memref<128xf32, #tpu.memory_space<hbm>>
        tpu.wait_dma2 semaphore(%run_scoped3A : memref<!tpu.dma_semaphore, #tpu.memory_space<semaphore_mem>>) src(%dma_wait3A_81 : memref<128xf32, #tpu.memory_space<hbm>>) dst(%dma_wait3A : memref<128xf32, #tpu.memory_space<vmem_shared>>)
        tpu.yield
      }) : () -> ()
    } else {
    }
    %add3A_26 = arith.constant 64 : i32
    %add3A_27 = arith.addi %arg1, %add3A_26 : i32
    %lt3A_28 = arith.constant 80 : i32
    %lt3A_29 = arith.cmpi slt, %add3A_27, %lt3A_28 : i32
    %convert_element_type3A_30 = arith.extui %lt3A_29 : i1 to i32
    %cond3A_31 = arith.constant 0 : i32
    %cond3A_32 = arith.cmpi ne, %convert_element_type3A_30, %cond3A_31 : i32
    scf.if %cond3A_32 {
      %mul3A_76 = arith.constant 128 : i32
      %mul3A_77 = arith.muli %add3A_27, %mul3A_76 : i32
      %mul3A_78 = arith.constant 128 : i32
      %mul3A_79 = arith.muli %add3A_27, %mul3A_78 : i32
      "tpu.region"() ({
        %run_scoped3A = tpu.sem_alloc : memref<!tpu.dma_semaphore, #tpu.memory_space<semaphore_mem>>
        %dma_start3A = tpu.memref_slice %arg8[%mul3A_79] : memref<10240xf32, #tpu.memory_space<vmem_shared>> -> memref<128xf32, #tpu.memory_space<vmem_shared>>
        %dma_start3A_80 = tpu.memref_slice %arg3[%mul3A_77] : memref<10240xf32, #tpu.memory_space<hbm>> -> memref<128xf32, #tpu.memory_space<hbm>>
        tpu.enqueue_dma source(%dma_start3A_80 : memref<128xf32, #tpu.memory_space<hbm>>) target(%dma_start3A : memref<128xf32, #tpu.memory_space<vmem_shared>>) target_semaphore(%run_scoped3A : memref<!tpu.dma_semaphore, #tpu.memory_space<semaphore_mem>>)
        %dma_wait3A = tpu.memref_slice %arg8[%mul3A_79] : memref<10240xf32, #tpu.memory_space<vmem_shared>> -> memref<128xf32, #tpu.memory_space<vmem_shared>>
        %dma_wait3A_81 = tpu.memref_slice %arg3[%mul3A_77] : memref<10240xf32, #tpu.memory_space<hbm>> -> memref<128xf32, #tpu.memory_space<hbm>>
        tpu.wait_dma2 semaphore(%run_scoped3A : memref<!tpu.dma_semaphore, #tpu.memory_space<semaphore_mem>>) src(%dma_wait3A_81 : memref<128xf32, #tpu.memory_space<hbm>>) dst(%dma_wait3A : memref<128xf32, #tpu.memory_space<vmem_shared>>)
        tpu.yield
      }) : () -> ()
    } else {
    }
    "tpu.region"() ({
      %run_scoped3A = tpu.sem_alloc : memref<!tpu.dma_semaphore, #tpu.memory_space<semaphore_mem>>
      tpu.enqueue_dma source(%arg4 : memref<128xf32, #tpu.memory_space<hbm>>) target(%arg7 : memref<128xf32, #tpu.memory_space<vmem>>) target_semaphore(%run_scoped3A : memref<!tpu.dma_semaphore, #tpu.memory_space<semaphore_mem>>)
      tpu.wait_dma2 semaphore(%run_scoped3A : memref<!tpu.dma_semaphore, #tpu.memory_space<semaphore_mem>>) src(%arg4 : memref<128xf32, #tpu.memory_space<hbm>>) dst(%arg7 : memref<128xf32, #tpu.memory_space<vmem>>)
      tpu.yield
    }) : () -> ()
    %mul3A_33 = arith.constant 80 : i32
    %mul3A_34 = arith.muli %add3A, %mul3A_33 : i32
    "tpu.region"() ({
      %run_scoped3A = tpu.sem_alloc : memref<!tpu.dma_semaphore, #tpu.memory_space<semaphore_mem>>
      %dma_start3A = arith.constant 0 : i32
      %dma_start3A_76 = tpu.memref_slice %arg2[%mul3A_34, %dma_start3A] : memref<2560x128xi32, #tpu.memory_space<hbm>> -> memref<80x128xi32, #tpu.memory_space<hbm>>
      %dma_start3A_77 = arith.constant 0 : i32
      %dma_start3A_78 = tpu.memref_slice %arg2[%mul3A_34, %dma_start3A_77] : memref<2560x128xi32, #tpu.memory_space<hbm>> -> memref<80x128xi32, #tpu.memory_space<hbm>>
      tpu.enqueue_dma source(%dma_start3A_78 : memref<80x128xi32, #tpu.memory_space<hbm>>) target(%arg6 : memref<80x128xi32, #tpu.memory_space<vmem>>) target_semaphore(%run_scoped3A : memref<!tpu.dma_semaphore, #tpu.memory_space<semaphore_mem>>)
      %dma_wait3A = arith.constant 0 : i32
      %dma_wait3A_79 = tpu.memref_slice %arg2[%mul3A_34, %dma_wait3A] : memref<2560x128xi32, #tpu.memory_space<hbm>> -> memref<80x128xi32, #tpu.memory_space<hbm>>
      %dma_wait3A_80 = arith.constant 0 : i32
      %dma_wait3A_81 = tpu.memref_slice %arg2[%mul3A_34, %dma_wait3A_80] : memref<2560x128xi32, #tpu.memory_space<hbm>> -> memref<80x128xi32, #tpu.memory_space<hbm>>
      tpu.wait_dma2 semaphore(%run_scoped3A : memref<!tpu.dma_semaphore, #tpu.memory_space<semaphore_mem>>) src(%dma_wait3A_81 : memref<80x128xi32, #tpu.memory_space<hbm>>) dst(%arg6 : memref<80x128xi32, #tpu.memory_space<vmem>>)
      tpu.yield
    }) : () -> ()
    %barrier3A = arith.constant 0 : index
    tpu.barrier barrier_id(%barrier3A)
    %scan3A = arith.constant 0 : i32
    %scan3A_35 = arith.constant 0 : i32
    %scan3A_36 = arith.constant 80 : i32
    %scan3A_37 = arith.addi %scan3A_35, %scan3A_36 : i32
    %scan3A_38 = arith.constant 1 : i32
    scf.for %scan3A_76 = %scan3A_35 to %scan3A_37 step %scan3A_38  : i32 {
      "tpu.region"() ({
        %run_scoped3A = tpu.sem_alloc : memref<!tpu.dma_semaphore, #tpu.memory_space<semaphore_mem>>
        %dma_start3A = arith.constant 0 : i32
        %dma_start3A_77 = tpu.memref_slice %arg6[%scan3A_76, %dma_start3A] : memref<80x128xi32, #tpu.memory_space<vmem>> -> memref<1x128xi32, #tpu.memory_space<vmem>>
        %dma_start3A_78 = tpu.memref_squeeze %dma_start3A_77 : memref<1x128xi32, #tpu.memory_space<vmem>> -> memref<128xi32, #tpu.memory_space<vmem>>
        %dma_start3A_79 = arith.constant 0 : i32
        %dma_start3A_80 = tpu.memref_slice %arg8[%dma_start3A_79] : memref<10240xf32, #tpu.memory_space<vmem_shared>> -> memref<10240xf32, #tpu.memory_space<vmem_shared>>
        tpu.enqueue_indirect_dma source(%arg7 : memref<128xf32, #tpu.memory_space<vmem>>) target(%dma_start3A_80 : memref<10240xf32, #tpu.memory_space<vmem_shared>>) offsets(%dma_start3A_78 : memref<128xi32, #tpu.memory_space<vmem>>) semaphore(%run_scoped3A : memref<!tpu.dma_semaphore, #tpu.memory_space<semaphore_mem>>) {add = true}
        %dma_wait3A = arith.constant 0 : i32
        %dma_wait3A_81 = tpu.memref_slice %arg6[%scan3A_76, %dma_wait3A] : memref<80x128xi32, #tpu.memory_space<vmem>> -> memref<1x128xi32, #tpu.memory_space<vmem>>
        %dma_wait3A_82 = tpu.memref_squeeze %dma_wait3A_81 : memref<1x128xi32, #tpu.memory_space<vmem>> -> memref<128xi32, #tpu.memory_space<vmem>>
        %dma_wait3A_83 = arith.constant 0 : i32
        %dma_wait3A_84 = tpu.memref_slice %arg8[%dma_wait3A_83] : memref<10240xf32, #tpu.memory_space<vmem_shared>> -> memref<10240xf32, #tpu.memory_space<vmem_shared>>
        tpu.wait_indirect_dma semaphore(%run_scoped3A : memref<!tpu.dma_semaphore, #tpu.memory_space<semaphore_mem>>) src(%arg7 : memref<128xf32, #tpu.memory_space<vmem>>) dst(%dma_wait3A_84 : memref<10240xf32, #tpu.memory_space<vmem_shared>>)
        tpu.yield
      }) : () -> ()
    }
    %scan3A_39 = arith.constant 80 : i32
    %barrier3A_40 = arith.constant 0 : index
    tpu.barrier barrier_id(%barrier3A_40)
    %add3A_41 = arith.constant 0 : i32
    %add3A_42 = arith.addi %arg1, %add3A_41 : i32
    %lt3A_43 = arith.constant 80 : i32
    %lt3A_44 = arith.cmpi slt, %add3A_42, %lt3A_43 : i32
    %convert_element_type3A_45 = arith.extui %lt3A_44 : i1 to i32
    %cond3A_46 = arith.constant 0 : i32
    %cond3A_47 = arith.cmpi ne, %convert_element_type3A_45, %cond3A_46 : i32
    scf.if %cond3A_47 {
      %mul3A_76 = arith.constant 128 : i32
      %mul3A_77 = arith.muli %add3A_42, %mul3A_76 : i32
      %mul3A_78 = arith.constant 10240 : i32
      %mul3A_79 = arith.muli %arg0, %mul3A_78 : i32
      %mul3A_80 = arith.constant 128 : i32
      %mul3A_81 = arith.muli %add3A_42, %mul3A_80 : i32
      %add3A_82 = arith.addi %mul3A_79, %mul3A_81 : i32
      "tpu.region"() ({
        %run_scoped3A = tpu.sem_alloc : memref<!tpu.dma_semaphore, #tpu.memory_space<semaphore_mem>>
        %dma_start3A = tpu.memref_slice %arg5[%add3A_82] : memref<20480xf32, #tpu.memory_space<hbm>> -> memref<128xf32, #tpu.memory_space<hbm>>
        %dma_start3A_83 = tpu.memref_slice %arg8[%mul3A_77] : memref<10240xf32, #tpu.memory_space<vmem_shared>> -> memref<128xf32, #tpu.memory_space<vmem_shared>>
        tpu.enqueue_dma source(%dma_start3A_83 : memref<128xf32, #tpu.memory_space<vmem_shared>>) target(%dma_start3A : memref<128xf32, #tpu.memory_space<hbm>>) target_semaphore(%run_scoped3A : memref<!tpu.dma_semaphore, #tpu.memory_space<semaphore_mem>>)
        %dma_wait3A = tpu.memref_slice %arg5[%add3A_82] : memref<20480xf32, #tpu.memory_space<hbm>> -> memref<128xf32, #tpu.memory_space<hbm>>
        %dma_wait3A_84 = tpu.memref_slice %arg8[%mul3A_77] : memref<10240xf32, #tpu.memory_space<vmem_shared>> -> memref<128xf32, #tpu.memory_space<vmem_shared>>
        tpu.wait_dma2 semaphore(%run_scoped3A : memref<!tpu.dma_semaphore, #tpu.memory_space<semaphore_mem>>) src(%dma_wait3A_84 : memref<128xf32, #tpu.memory_space<vmem_shared>>) dst(%dma_wait3A : memref<128xf32, #tpu.memory_space<hbm>>)
        tpu.yield
      }) : () -> ()
    } else {
    }
    %add3A_48 = arith.constant 16 : i32
    %add3A_49 = arith.addi %arg1, %add3A_48 : i32
    %lt3A_50 = arith.constant 80 : i32
    %lt3A_51 = arith.cmpi slt, %add3A_49, %lt3A_50 : i32
    %convert_element_type3A_52 = arith.extui %lt3A_51 : i1 to i32
    %cond3A_53 = arith.constant 0 : i32
    %cond3A_54 = arith.cmpi ne, %convert_element_type3A_52, %cond3A_53 : i32
    scf.if %cond3A_54 {
      %mul3A_76 = arith.constant 128 : i32
      %mul3A_77 = arith.muli %add3A_49, %mul3A_76 : i32
      %mul3A_78 = arith.constant 10240 : i32
      %mul3A_79 = arith.muli %arg0, %mul3A_78 : i32
      %mul3A_80 = arith.constant 128 : i32
      %mul3A_81 = arith.muli %add3A_49, %mul3A_80 : i32
      %add3A_82 = arith.addi %mul3A_79, %mul3A_81 : i32
      "tpu.region"() ({
        %run_scoped3A = tpu.sem_alloc : memref<!tpu.dma_semaphore, #tpu.memory_space<semaphore_mem>>
        %dma_start3A = tpu.memref_slice %arg5[%add3A_82] : memref<20480xf32, #tpu.memory_space<hbm>> -> memref<128xf32, #tpu.memory_space<hbm>>
        %dma_start3A_83 = tpu.memref_slice %arg8[%mul3A_77] : memref<10240xf32, #tpu.memory_space<vmem_shared>> -> memref<128xf32, #tpu.memory_space<vmem_shared>>
        tpu.enqueue_dma source(%dma_start3A_83 : memref<128xf32, #tpu.memory_space<vmem_shared>>) target(%dma_start3A : memref<128xf32, #tpu.memory_space<hbm>>) target_semaphore(%run_scoped3A : memref<!tpu.dma_semaphore, #tpu.memory_space<semaphore_mem>>)
        %dma_wait3A = tpu.memref_slice %arg5[%add3A_82] : memref<20480xf32, #tpu.memory_space<hbm>> -> memref<128xf32, #tpu.memory_space<hbm>>
        %dma_wait3A_84 = tpu.memref_slice %arg8[%mul3A_77] : memref<10240xf32, #tpu.memory_space<vmem_shared>> -> memref<128xf32, #tpu.memory_space<vmem_shared>>
        tpu.wait_dma2 semaphore(%run_scoped3A : memref<!tpu.dma_semaphore, #tpu.memory_space<semaphore_mem>>) src(%dma_wait3A_84 : memref<128xf32, #tpu.memory_space<vmem_shared>>) dst(%dma_wait3A : memref<128xf32, #tpu.memory_space<hbm>>)
        tpu.yield
      }) : () -> ()
    } else {
    }
    %add3A_55 = arith.constant 32 : i32
    %add3A_56 = arith.addi %arg1, %add3A_55 : i32
    %lt3A_57 = arith.constant 80 : i32
    %lt3A_58 = arith.cmpi slt, %add3A_56, %lt3A_57 : i32
    %convert_element_type3A_59 = arith.extui %lt3A_58 : i1 to i32
    %cond3A_60 = arith.constant 0 : i32
    %cond3A_61 = arith.cmpi ne, %convert_element_type3A_59, %cond3A_60 : i32
    scf.if %cond3A_61 {
      %mul3A_76 = arith.constant 128 : i32
      %mul3A_77 = arith.muli %add3A_56, %mul3A_76 : i32
      %mul3A_78 = arith.constant 10240 : i32
      %mul3A_79 = arith.muli %arg0, %mul3A_78 : i32
      %mul3A_80 = arith.constant 128 : i32
      %mul3A_81 = arith.muli %add3A_56, %mul3A_80 : i32
      %add3A_82 = arith.addi %mul3A_79, %mul3A_81 : i32
      "tpu.region"() ({
        %run_scoped3A = tpu.sem_alloc : memref<!tpu.dma_semaphore, #tpu.memory_space<semaphore_mem>>
        %dma_start3A = tpu.memref_slice %arg5[%add3A_82] : memref<20480xf32, #tpu.memory_space<hbm>> -> memref<128xf32, #tpu.memory_space<hbm>>
        %dma_start3A_83 = tpu.memref_slice %arg8[%mul3A_77] : memref<10240xf32, #tpu.memory_space<vmem_shared>> -> memref<128xf32, #tpu.memory_space<vmem_shared>>
        tpu.enqueue_dma source(%dma_start3A_83 : memref<128xf32, #tpu.memory_space<vmem_shared>>) target(%dma_start3A : memref<128xf32, #tpu.memory_space<hbm>>) target_semaphore(%run_scoped3A : memref<!tpu.dma_semaphore, #tpu.memory_space<semaphore_mem>>)
        %dma_wait3A = tpu.memref_slice %arg5[%add3A_82] : memref<20480xf32, #tpu.memory_space<hbm>> -> memref<128xf32, #tpu.memory_space<hbm>>
        %dma_wait3A_84 = tpu.memref_slice %arg8[%mul3A_77] : memref<10240xf32, #tpu.memory_space<vmem_shared>> -> memref<128xf32, #tpu.memory_space<vmem_shared>>
        tpu.wait_dma2 semaphore(%run_scoped3A : memref<!tpu.dma_semaphore, #tpu.memory_space<semaphore_mem>>) src(%dma_wait3A_84 : memref<128xf32, #tpu.memory_space<vmem_shared>>) dst(%dma_wait3A : memref<128xf32, #tpu.memory_space<hbm>>)
        tpu.yield
      }) : () -> ()
    } else {
    }
    %add3A_62 = arith.constant 48 : i32
    %add3A_63 = arith.addi %arg1, %add3A_62 : i32
    %lt3A_64 = arith.constant 80 : i32
    %lt3A_65 = arith.cmpi slt, %add3A_63, %lt3A_64 : i32
    %convert_element_type3A_66 = arith.extui %lt3A_65 : i1 to i32
    %cond3A_67 = arith.constant 0 : i32
    %cond3A_68 = arith.cmpi ne, %convert_element_type3A_66, %cond3A_67 : i32
    scf.if %cond3A_68 {
      %mul3A_76 = arith.constant 128 : i32
      %mul3A_77 = arith.muli %add3A_63, %mul3A_76 : i32
      %mul3A_78 = arith.constant 10240 : i32
      %mul3A_79 = arith.muli %arg0, %mul3A_78 : i32
      %mul3A_80 = arith.constant 128 : i32
      %mul3A_81 = arith.muli %add3A_63, %mul3A_80 : i32
      %add3A_82 = arith.addi %mul3A_79, %mul3A_81 : i32
      "tpu.region"() ({
        %run_scoped3A = tpu.sem_alloc : memref<!tpu.dma_semaphore, #tpu.memory_space<semaphore_mem>>
        %dma_start3A = tpu.memref_slice %arg5[%add3A_82] : memref<20480xf32, #tpu.memory_space<hbm>> -> memref<128xf32, #tpu.memory_space<hbm>>
        %dma_start3A_83 = tpu.memref_slice %arg8[%mul3A_77] : memref<10240xf32, #tpu.memory_space<vmem_shared>> -> memref<128xf32, #tpu.memory_space<vmem_shared>>
        tpu.enqueue_dma source(%dma_start3A_83 : memref<128xf32, #tpu.memory_space<vmem_shared>>) target(%dma_start3A : memref<128xf32, #tpu.memory_space<hbm>>) target_semaphore(%run_scoped3A : memref<!tpu.dma_semaphore, #tpu.memory_space<semaphore_mem>>)
        %dma_wait3A = tpu.memref_slice %arg5[%add3A_82] : memref<20480xf32, #tpu.memory_space<hbm>> -> memref<128xf32, #tpu.memory_space<hbm>>
        %dma_wait3A_84 = tpu.memref_slice %arg8[%mul3A_77] : memref<10240xf32, #tpu.memory_space<vmem_shared>> -> memref<128xf32, #tpu.memory_space<vmem_shared>>
        tpu.wait_dma2 semaphore(%run_scoped3A : memref<!tpu.dma_semaphore, #tpu.memory_space<semaphore_mem>>) src(%dma_wait3A_84 : memref<128xf32, #tpu.memory_space<vmem_shared>>) dst(%dma_wait3A : memref<128xf32, #tpu.memory_space<hbm>>)
        tpu.yield
      }) : () -> ()
    } else {
    }
    %add3A_69 = arith.constant 64 : i32
    %add3A_70 = arith.addi %arg1, %add3A_69 : i32
    %lt3A_71 = arith.constant 80 : i32
    %lt3A_72 = arith.cmpi slt, %add3A_70, %lt3A_71 : i32
    %convert_element_type3A_73 = arith.extui %lt3A_72 : i1 to i32
    %cond3A_74 = arith.constant 0 : i32
    %cond3A_75 = arith.cmpi ne, %convert_element_type3A_73, %cond3A_74 : i32
    scf.if %cond3A_75 {
      %mul3A_76 = arith.constant 128 : i32
      %mul3A_77 = arith.muli %add3A_70, %mul3A_76 : i32
      %mul3A_78 = arith.constant 10240 : i32
      %mul3A_79 = arith.muli %arg0, %mul3A_78 : i32
      %mul3A_80 = arith.constant 128 : i32
      %mul3A_81 = arith.muli %add3A_70, %mul3A_80 : i32
      %add3A_82 = arith.addi %mul3A_79, %mul3A_81 : i32
      "tpu.region"() ({
        %run_scoped3A = tpu.sem_alloc : memref<!tpu.dma_semaphore, #tpu.memory_space<semaphore_mem>>
        %dma_start3A = tpu.memref_slice %arg5[%add3A_82] : memref<20480xf32, #tpu.memory_space<hbm>> -> memref<128xf32, #tpu.memory_space<hbm>>
        %dma_start3A_83 = tpu.memref_slice %arg8[%mul3A_77] : memref<10240xf32, #tpu.memory_space<vmem_shared>> -> memref<128xf32, #tpu.memory_space<vmem_shared>>
        tpu.enqueue_dma source(%dma_start3A_83 : memref<128xf32, #tpu.memory_space<vmem_shared>>) target(%dma_start3A : memref<128xf32, #tpu.memory_space<hbm>>) target_semaphore(%run_scoped3A : memref<!tpu.dma_semaphore, #tpu.memory_space<semaphore_mem>>)
        %dma_wait3A = tpu.memref_slice %arg5[%add3A_82] : memref<20480xf32, #tpu.memory_space<hbm>> -> memref<128xf32, #tpu.memory_space<hbm>>
        %dma_wait3A_84 = tpu.memref_slice %arg8[%mul3A_77] : memref<10240xf32, #tpu.memory_space<vmem_shared>> -> memref<128xf32, #tpu.memory_space<vmem_shared>>
        tpu.wait_dma2 semaphore(%run_scoped3A : memref<!tpu.dma_semaphore, #tpu.memory_space<semaphore_mem>>) src(%dma_wait3A_84 : memref<128xf32, #tpu.memory_space<vmem_shared>>) dst(%dma_wait3A : memref<128xf32, #tpu.memory_space<hbm>>)
        tpu.yield
      }) : () -> ()
    } else {
    }
    return
  }
}

#map = affine_map<(d0, d1) -> (0, 0, 0)>
#map1 = affine_map<(d0, d1) -> (0, 0)>
module attributes {stable_mosaic.version = 14 : i64} {
  func.func @_edge_call(%arg0: i32, %arg1: i32, %arg2: memref<2x10000x128xf32, #tpu.memory_space<hbm>>, %arg3: memref<2560x128xi32, #tpu.memory_space<hbm>>, %arg4: memref<2560x128xi32, #tpu.memory_space<hbm>>, %arg5: memref<2x10240x128xf32, #tpu.memory_space<hbm>>, %arg6: memref<32x128xi32, #tpu.memory_space<vmem>>, %arg7: memref<32x128xi32, #tpu.memory_space<vmem>>, %arg8: memref<128x128xf32, #tpu.memory_space<vmem>>, %arg9: memref<128x128xf32, #tpu.memory_space<vmem>>, %arg10: memref<10240x128xf32, #tpu.memory_space<vmem_shared>>, %arg11: memref<!tpu.dma_semaphore, #tpu.memory_space<semaphore_mem>>, %arg12: memref<!tpu.dma_semaphore, #tpu.memory_space<semaphore_mem>>) attributes {dimension_semantics = [#tpu.dimension_semantics<core_parallel>, #tpu.dimension_semantics<subcore_parallel>], iteration_bounds = array<i64: 2, 16>, scalar_prefetch = 0 : i64, scratch_operands = 7 : i64, tpu.core_type = #tpu.core_type<sc_vector_subcore>, window_params = [{transform_indices = #map}, {transform_indices = #map1}, {transform_indices = #map1}, {transform_indices = #map}]} {
    %scan3A = arith.constant 0 : i32
    %scan3A_0 = arith.constant 0 : i32
    %scan3A_1 = arith.constant 1024 : i32
    %scan3A_2 = arith.addi %scan3A_0, %scan3A_1 : i32
    %scan3A_3 = arith.constant 1 : i32
    scf.for %scan3A_47 = %scan3A_0 to %scan3A_2 step %scan3A_3  : i32 {
      %broadcast_in_dim3A = arith.constant 0.000000e+00 : f32
      %broadcast_in_dim3A_48 = vector.broadcast %broadcast_in_dim3A : f32 to vector<16xf32>
      %jit3A_49 = arith.constant 8 : i32
      %div3A = arith.divsi %scan3A_47, %jit3A_49 : i32
      %sign3A = arith.constant 0 : i32
      %sign3A_50 = arith.cmpi sgt, %scan3A_47, %sign3A : i32
      %sign3A_51 = arith.extui %sign3A_50 : i1 to i32
      %sign3A_52 = arith.constant 0 : i32
      %sign3A_53 = arith.cmpi slt, %scan3A_47, %sign3A_52 : i32
      %sign3A_54 = arith.extui %sign3A_53 : i1 to i32
      %sign3A_55 = arith.subi %sign3A_51, %sign3A_54 : i32
      %sign3A_56 = arith.constant 0 : i32
      %sign3A_57 = arith.cmpi sgt, %jit3A_49, %sign3A_56 : i32
      %sign3A_58 = arith.extui %sign3A_57 : i1 to i32
      %sign3A_59 = arith.constant 0 : i32
      %sign3A_60 = arith.cmpi slt, %jit3A_49, %sign3A_59 : i32
      %sign3A_61 = arith.extui %sign3A_60 : i1 to i32
      %sign3A_62 = arith.subi %sign3A_58, %sign3A_61 : i32
      %ne3A = arith.cmpi ne, %sign3A_55, %sign3A_62 : i32
      %rem3A = arith.remsi %scan3A_47, %jit3A_49 : i32
      %ne3A_63 = arith.constant 0 : i32
      %ne3A_64 = arith.cmpi ne, %rem3A, %ne3A_63 : i32
      %and3A = arith.andi %ne3A, %ne3A_64 : i1
      %sub3A = arith.constant 1 : i32
      %sub3A_65 = arith.subi %div3A, %sub3A : i32
      %select_n3A_66 = arith.select %and3A, %sub3A_65, %div3A : i32
      %jit3A_67 = arith.constant 8 : i32
      %eq3A_68 = arith.constant 0 : i32
      %eq3A_69 = arith.cmpi eq, %jit3A_67, %eq3A_68 : i32
      %jit3A_70 = arith.constant 1 : i32
      %select_n3A_71 = arith.select %eq3A_69, %jit3A_70, %jit3A_67 : i32
      %rem3A_72 = arith.remsi %scan3A_47, %select_n3A_71 : i32
      %ne3A_73 = arith.constant 0 : i32
      %ne3A_74 = arith.cmpi ne, %rem3A_72, %ne3A_73 : i32
      %lt3A = arith.constant 0 : i32
      %lt3A_75 = arith.cmpi slt, %rem3A_72, %lt3A : i32
      %lt3A_76 = arith.constant 0 : i32
      %lt3A_77 = arith.cmpi slt, %select_n3A_71, %lt3A_76 : i32
      %ne3A_78 = arith.xori %lt3A_75, %lt3A_77 : i1
      %and3A_79 = arith.andi %ne3A_78, %ne3A_74 : i1
      %add3A_80 = arith.addi %rem3A_72, %select_n3A_71 : i32
      %select_n3A_81 = arith.select %and3A_79, %add3A_80, %rem3A_72 : i32
      %mul3A_82 = arith.constant 16 : i32
      %mul3A_83 = arith.muli %select_n3A_81, %mul3A_82 : i32
      %swap3A = arith.index_cast %select_n3A_66 : i32 to index
      %swap3A_84 = arith.index_cast %mul3A_83 : i32 to index
      %swap3A_85 = tpu.vector_load %arg8[%swap3A, %swap3A_84] {strides = array<i32>} : memref<128x128xf32, #tpu.memory_space<vmem>>, vector<1x16xf32>,
      %swap3A_86 = vector.shape_cast %swap3A_85 : vector<1x16xf32> to vector<16xf32>
      %swap3A_87 = vector.shape_cast %broadcast_in_dim3A_48 : vector<16xf32> to vector<1x16xf32>
      tpu.vector_store %arg8[%swap3A, %swap3A_84], %swap3A_87 {strides = array<i32>} : memref<128x128xf32, #tpu.memory_space<vmem>>, vector<1x16xf32>,
    }
    %scan3A_4 = arith.constant 1024 : i32
    %mul3A = arith.constant 640 : i32
    %mul3A_5 = arith.muli %arg1, %mul3A : i32
    %add3A = arith.constant 0 : i32
    %add3A_6 = arith.addi %mul3A_5, %add3A : i32
    "tpu.region"() ({
      %run_scoped3A = tpu.sem_alloc : memref<!tpu.dma_semaphore, #tpu.memory_space<semaphore_mem>>
      %dma_start3A = arith.constant 0 : i32
      %dma_start3A_47 = tpu.memref_slice %arg10[%add3A_6, %dma_start3A] : memref<10240x128xf32, #tpu.memory_space<vmem_shared>> -> memref<128x128xf32, #tpu.memory_space<vmem_shared>>
      %dma_start3A_48 = arith.constant 0 : i32
      %dma_start3A_49 = tpu.memref_slice %arg10[%add3A_6, %dma_start3A_48] : memref<10240x128xf32, #tpu.memory_space<vmem_shared>> -> memref<128x128xf32, #tpu.memory_space<vmem_shared>>
      tpu.enqueue_dma source(%arg8 : memref<128x128xf32, #tpu.memory_space<vmem>>) target(%dma_start3A_49 : memref<128x128xf32, #tpu.memory_space<vmem_shared>>) target_semaphore(%run_scoped3A : memref<!tpu.dma_semaphore, #tpu.memory_space<semaphore_mem>>)
      %dma_wait3A = arith.constant 0 : i32
      %dma_wait3A_50 = tpu.memref_slice %arg10[%add3A_6, %dma_wait3A] : memref<10240x128xf32, #tpu.memory_space<vmem_shared>> -> memref<128x128xf32, #tpu.memory_space<vmem_shared>>
      %dma_wait3A_51 = arith.constant 0 : i32
      %dma_wait3A_52 = tpu.memref_slice %arg10[%add3A_6, %dma_wait3A_51] : memref<10240x128xf32, #tpu.memory_space<vmem_shared>> -> memref<128x128xf32, #tpu.memory_space<vmem_shared>>
      tpu.wait_dma2 semaphore(%run_scoped3A : memref<!tpu.dma_semaphore, #tpu.memory_space<semaphore_mem>>) src(%arg8 : memref<128x128xf32, #tpu.memory_space<vmem>>) dst(%dma_wait3A_52 : memref<128x128xf32, #tpu.memory_space<vmem_shared>>)
      tpu.yield
    }) : () -> ()
    %mul3A_7 = arith.constant 640 : i32
    %mul3A_8 = arith.muli %arg1, %mul3A_7 : i32
    %add3A_9 = arith.constant 128 : i32
    %add3A_10 = arith.addi %mul3A_8, %add3A_9 : i32
    "tpu.region"() ({
      %run_scoped3A = tpu.sem_alloc : memref<!tpu.dma_semaphore, #tpu.memory_space<semaphore_mem>>
      %dma_start3A = arith.constant 0 : i32
      %dma_start3A_47 = tpu.memref_slice %arg10[%add3A_10, %dma_start3A] : memref<10240x128xf32, #tpu.memory_space<vmem_shared>> -> memref<128x128xf32, #tpu.memory_space<vmem_shared>>
      %dma_start3A_48 = arith.constant 0 : i32
      %dma_start3A_49 = tpu.memref_slice %arg10[%add3A_10, %dma_start3A_48] : memref<10240x128xf32, #tpu.memory_space<vmem_shared>> -> memref<128x128xf32, #tpu.memory_space<vmem_shared>>
      tpu.enqueue_dma source(%arg8 : memref<128x128xf32, #tpu.memory_space<vmem>>) target(%dma_start3A_49 : memref<128x128xf32, #tpu.memory_space<vmem_shared>>) target_semaphore(%run_scoped3A : memref<!tpu.dma_semaphore, #tpu.memory_space<semaphore_mem>>)
      %dma_wait3A = arith.constant 0 : i32
      %dma_wait3A_50 = tpu.memref_slice %arg10[%add3A_10, %dma_wait3A] : memref<10240x128xf32, #tpu.memory_space<vmem_shared>> -> memref<128x128xf32, #tpu.memory_space<vmem_shared>>
      %dma_wait3A_51 = arith.constant 0 : i32
      %dma_wait3A_52 = tpu.memref_slice %arg10[%add3A_10, %dma_wait3A_51] : memref<10240x128xf32, #tpu.memory_space<vmem_shared>> -> memref<128x128xf32, #tpu.memory_space<vmem_shared>>
      tpu.wait_dma2 semaphore(%run_scoped3A : memref<!tpu.dma_semaphore, #tpu.memory_space<semaphore_mem>>) src(%arg8 : memref<128x128xf32, #tpu.memory_space<vmem>>) dst(%dma_wait3A_52 : memref<128x128xf32, #tpu.memory_space<vmem_shared>>)
      tpu.yield
    }) : () -> ()
    %mul3A_11 = arith.constant 640 : i32
    %mul3A_12 = arith.muli %arg1, %mul3A_11 : i32
    %add3A_13 = arith.constant 256 : i32
    %add3A_14 = arith.addi %mul3A_12, %add3A_13 : i32
    "tpu.region"() ({
      %run_scoped3A = tpu.sem_alloc : memref<!tpu.dma_semaphore, #tpu.memory_space<semaphore_mem>>
      %dma_start3A = arith.constant 0 : i32
      %dma_start3A_47 = tpu.memref_slice %arg10[%add3A_14, %dma_start3A] : memref<10240x128xf32, #tpu.memory_space<vmem_shared>> -> memref<128x128xf32, #tpu.memory_space<vmem_shared>>
      %dma_start3A_48 = arith.constant 0 : i32
      %dma_start3A_49 = tpu.memref_slice %arg10[%add3A_14, %dma_start3A_48] : memref<10240x128xf32, #tpu.memory_space<vmem_shared>> -> memref<128x128xf32, #tpu.memory_space<vmem_shared>>
      tpu.enqueue_dma source(%arg8 : memref<128x128xf32, #tpu.memory_space<vmem>>) target(%dma_start3A_49 : memref<128x128xf32, #tpu.memory_space<vmem_shared>>) target_semaphore(%run_scoped3A : memref<!tpu.dma_semaphore, #tpu.memory_space<semaphore_mem>>)
      %dma_wait3A = arith.constant 0 : i32
      %dma_wait3A_50 = tpu.memref_slice %arg10[%add3A_14, %dma_wait3A] : memref<10240x128xf32, #tpu.memory_space<vmem_shared>> -> memref<128x128xf32, #tpu.memory_space<vmem_shared>>
      %dma_wait3A_51 = arith.constant 0 : i32
      %dma_wait3A_52 = tpu.memref_slice %arg10[%add3A_14, %dma_wait3A_51] : memref<10240x128xf32, #tpu.memory_space<vmem_shared>> -> memref<128x128xf32, #tpu.memory_space<vmem_shared>>
      tpu.wait_dma2 semaphore(%run_scoped3A : memref<!tpu.dma_semaphore, #tpu.memory_space<semaphore_mem>>) src(%arg8 : memref<128x128xf32, #tpu.memory_space<vmem>>) dst(%dma_wait3A_52 : memref<128x128xf32, #tpu.memory_space<vmem_shared>>)
      tpu.yield
    }) : () -> ()
    %mul3A_15 = arith.constant 640 : i32
    %mul3A_16 = arith.muli %arg1, %mul3A_15 : i32
    %add3A_17 = arith.constant 384 : i32
    %add3A_18 = arith.addi %mul3A_16, %add3A_17 : i32
    "tpu.region"() ({
      %run_scoped3A = tpu.sem_alloc : memref<!tpu.dma_semaphore, #tpu.memory_space<semaphore_mem>>
      %dma_start3A = arith.constant 0 : i32
      %dma_start3A_47 = tpu.memref_slice %arg10[%add3A_18, %dma_start3A] : memref<10240x128xf32, #tpu.memory_space<vmem_shared>> -> memref<128x128xf32, #tpu.memory_space<vmem_shared>>
      %dma_start3A_48 = arith.constant 0 : i32
      %dma_start3A_49 = tpu.memref_slice %arg10[%add3A_18, %dma_start3A_48] : memref<10240x128xf32, #tpu.memory_space<vmem_shared>> -> memref<128x128xf32, #tpu.memory_space<vmem_shared>>
      tpu.enqueue_dma source(%arg8 : memref<128x128xf32, #tpu.memory_space<vmem>>) target(%dma_start3A_49 : memref<128x128xf32, #tpu.memory_space<vmem_shared>>) target_semaphore(%run_scoped3A : memref<!tpu.dma_semaphore, #tpu.memory_space<semaphore_mem>>)
      %dma_wait3A = arith.constant 0 : i32
      %dma_wait3A_50 = tpu.memref_slice %arg10[%add3A_18, %dma_wait3A] : memref<10240x128xf32, #tpu.memory_space<vmem_shared>> -> memref<128x128xf32, #tpu.memory_space<vmem_shared>>
      %dma_wait3A_51 = arith.constant 0 : i32
      %dma_wait3A_52 = tpu.memref_slice %arg10[%add3A_18, %dma_wait3A_51] : memref<10240x128xf32, #tpu.memory_space<vmem_shared>> -> memref<128x128xf32, #tpu.memory_space<vmem_shared>>
      tpu.wait_dma2 semaphore(%run_scoped3A : memref<!tpu.dma_semaphore, #tpu.memory_space<semaphore_mem>>) src(%arg8 : memref<128x128xf32, #tpu.memory_space<vmem>>) dst(%dma_wait3A_52 : memref<128x128xf32, #tpu.memory_space<vmem_shared>>)
      tpu.yield
    }) : () -> ()
    %mul3A_19 = arith.constant 640 : i32
    %mul3A_20 = arith.muli %arg1, %mul3A_19 : i32
    %add3A_21 = arith.constant 512 : i32
    %add3A_22 = arith.addi %mul3A_20, %add3A_21 : i32
    "tpu.region"() ({
      %run_scoped3A = tpu.sem_alloc : memref<!tpu.dma_semaphore, #tpu.memory_space<semaphore_mem>>
      %dma_start3A = arith.constant 0 : i32
      %dma_start3A_47 = tpu.memref_slice %arg10[%add3A_22, %dma_start3A] : memref<10240x128xf32, #tpu.memory_space<vmem_shared>> -> memref<128x128xf32, #tpu.memory_space<vmem_shared>>
      %dma_start3A_48 = arith.constant 0 : i32
      %dma_start3A_49 = tpu.memref_slice %arg10[%add3A_22, %dma_start3A_48] : memref<10240x128xf32, #tpu.memory_space<vmem_shared>> -> memref<128x128xf32, #tpu.memory_space<vmem_shared>>
      tpu.enqueue_dma source(%arg8 : memref<128x128xf32, #tpu.memory_space<vmem>>) target(%dma_start3A_49 : memref<128x128xf32, #tpu.memory_space<vmem_shared>>) target_semaphore(%run_scoped3A : memref<!tpu.dma_semaphore, #tpu.memory_space<semaphore_mem>>)
      %dma_wait3A = arith.constant 0 : i32
      %dma_wait3A_50 = tpu.memref_slice %arg10[%add3A_22, %dma_wait3A] : memref<10240x128xf32, #tpu.memory_space<vmem_shared>> -> memref<128x128xf32, #tpu.memory_space<vmem_shared>>
      %dma_wait3A_51 = arith.constant 0 : i32
      %dma_wait3A_52 = tpu.memref_slice %arg10[%add3A_22, %dma_wait3A_51] : memref<10240x128xf32, #tpu.memory_space<vmem_shared>> -> memref<128x128xf32, #tpu.memory_space<vmem_shared>>
      tpu.wait_dma2 semaphore(%run_scoped3A : memref<!tpu.dma_semaphore, #tpu.memory_space<semaphore_mem>>) src(%arg8 : memref<128x128xf32, #tpu.memory_space<vmem>>) dst(%dma_wait3A_52 : memref<128x128xf32, #tpu.memory_space<vmem_shared>>)
      tpu.yield
    }) : () -> ()
    %barrier3A = arith.constant 0 : index
    tpu.barrier barrier_id(%barrier3A)
    %eq3A = arith.constant 0 : i32
    %eq3A_23 = arith.cmpi eq, %arg0, %eq3A : i32
    %jit3A = arith.constant 4 : i32
    %jit3A_24 = arith.constant 1 : i32
    %select_n3A = arith.select %eq3A_23, %jit3A, %jit3A_24 : i32
    %mul3A_25 = arith.constant 160 : i32
    %mul3A_26 = arith.muli %arg1, %mul3A_25 : i32
    %eq3A_27 = arith.constant 0 : i32
    %eq3A_28 = arith.cmpi eq, %arg0, %eq3A_27 : i32
    %jit3A_29 = arith.constant 0 : i32
    %jit3A_30 = arith.constant 128 : i32
    %select_n3A_31 = arith.select %eq3A_28, %jit3A_29, %jit3A_30 : i32
    %add3A_32 = arith.addi %mul3A_26, %select_n3A_31 : i32
    %while3A = arith.constant 0 : i32
    %while3A_33 = arith.constant 0 : i32
    %while3A_34 = arith.subi %select_n3A, %while3A_33 : i32
    %while3A_35 = arith.addi %while3A_33, %while3A_34 : i32
    %while3A_36 = arith.constant 1 : i32
    %while3A_37 = arith.divsi %while3A_34, %while3A_36 : i32
    %while3A_38 = arith.muli %while3A_37, %while3A_36 : i32
    %while3A_39 = arith.addi %while3A_33, %while3A_38 : i32
    %while3A_40 = arith.constant 1 : i32
    scf.for %while3A_47 = %while3A_33 to %while3A_39 step %while3A_40  : i32 {
      %mul3A_48 = arith.constant 32 : i32
      %mul3A_49 = arith.muli %while3A_47, %mul3A_48 : i32
      %add3A_50 = arith.addi %add3A_32, %mul3A_49 : i32
      %multiple_of3A = tpu.assume_multiple %add3A_50, 8 : i32
      "tpu.region"() ({
        %run_scoped3A = tpu.sem_alloc : memref<!tpu.dma_semaphore, #tpu.memory_space<semaphore_mem>>
        %dma_start3A_67 = arith.constant 0 : i32
        %dma_start3A_68 = tpu.memref_slice %arg3[%multiple_of3A, %dma_start3A_67] : memref<2560x128xi32, #tpu.memory_space<hbm>> -> memref<32x128xi32, #tpu.memory_space<hbm>>
        %dma_start3A_69 = arith.constant 0 : i32
        %dma_start3A_70 = tpu.memref_slice %arg3[%multiple_of3A, %dma_start3A_69] : memref<2560x128xi32, #tpu.memory_space<hbm>> -> memref<32x128xi32, #tpu.memory_space<hbm>>
        tpu.enqueue_dma source(%dma_start3A_70 : memref<32x128xi32, #tpu.memory_space<hbm>>) target(%arg6 : memref<32x128xi32, #tpu.memory_space<vmem>>) target_semaphore(%run_scoped3A : memref<!tpu.dma_semaphore, #tpu.memory_space<semaphore_mem>>)
        %dma_wait3A = arith.constant 0 : i32
        %dma_wait3A_71 = tpu.memref_slice %arg3[%multiple_of3A, %dma_wait3A] : memref<2560x128xi32, #tpu.memory_space<hbm>> -> memref<32x128xi32, #tpu.memory_space<hbm>>
        %dma_wait3A_72 = arith.constant 0 : i32
        %dma_wait3A_73 = tpu.memref_slice %arg3[%multiple_of3A, %dma_wait3A_72] : memref<2560x128xi32, #tpu.memory_space<hbm>> -> memref<32x128xi32, #tpu.memory_space<hbm>>
        tpu.wait_dma2 semaphore(%run_scoped3A : memref<!tpu.dma_semaphore, #tpu.memory_space<semaphore_mem>>) src(%dma_wait3A_73 : memref<32x128xi32, #tpu.memory_space<hbm>>) dst(%arg6 : memref<32x128xi32, #tpu.memory_space<vmem>>)
        tpu.yield
      }) : () -> ()
      "tpu.region"() ({
        %run_scoped3A = tpu.sem_alloc : memref<!tpu.dma_semaphore, #tpu.memory_space<semaphore_mem>>
        %dma_start3A_67 = arith.constant 0 : i32
        %dma_start3A_68 = tpu.memref_slice %arg4[%multiple_of3A, %dma_start3A_67] : memref<2560x128xi32, #tpu.memory_space<hbm>> -> memref<32x128xi32, #tpu.memory_space<hbm>>
        %dma_start3A_69 = arith.constant 0 : i32
        %dma_start3A_70 = tpu.memref_slice %arg4[%multiple_of3A, %dma_start3A_69] : memref<2560x128xi32, #tpu.memory_space<hbm>> -> memref<32x128xi32, #tpu.memory_space<hbm>>
        tpu.enqueue_dma source(%dma_start3A_70 : memref<32x128xi32, #tpu.memory_space<hbm>>) target(%arg7 : memref<32x128xi32, #tpu.memory_space<vmem>>) target_semaphore(%run_scoped3A : memref<!tpu.dma_semaphore, #tpu.memory_space<semaphore_mem>>)
        %dma_wait3A = arith.constant 0 : i32
        %dma_wait3A_71 = tpu.memref_slice %arg4[%multiple_of3A, %dma_wait3A] : memref<2560x128xi32, #tpu.memory_space<hbm>> -> memref<32x128xi32, #tpu.memory_space<hbm>>
        %dma_wait3A_72 = arith.constant 0 : i32
        %dma_wait3A_73 = tpu.memref_slice %arg4[%multiple_of3A, %dma_wait3A_72] : memref<2560x128xi32, #tpu.memory_space<hbm>> -> memref<32x128xi32, #tpu.memory_space<hbm>>
        tpu.wait_dma2 semaphore(%run_scoped3A : memref<!tpu.dma_semaphore, #tpu.memory_space<semaphore_mem>>) src(%dma_wait3A_73 : memref<32x128xi32, #tpu.memory_space<hbm>>) dst(%arg7 : memref<32x128xi32, #tpu.memory_space<vmem>>)
        tpu.yield
      }) : () -> ()
      %dma_start3A = arith.constant 0 : i32
      %dma_start3A_51 = arith.constant 0 : i32
      %dma_start3A_52 = tpu.memref_slice %arg6[%dma_start3A, %dma_start3A_51] : memref<32x128xi32, #tpu.memory_space<vmem>> -> memref<1x128xi32, #tpu.memory_space<vmem>>
      %dma_start3A_53 = tpu.memref_squeeze %dma_start3A_52 : memref<1x128xi32, #tpu.memory_space<vmem>> -> memref<128xi32, #tpu.memory_space<vmem>>
      %dma_start3A_54 = arith.constant 0 : i32
      %dma_start3A_55 = arith.constant 0 : i32
      %dma_start3A_56 = tpu.memref_slice %arg2[%arg0, %dma_start3A_54, %dma_start3A_55] : memref<2x10000x128xf32, #tpu.memory_space<hbm>> -> memref<1x10000x128xf32, #tpu.memory_space<hbm>>
      %dma_start3A_57 = tpu.memref_squeeze %dma_start3A_56 : memref<1x10000x128xf32, #tpu.memory_space<hbm>> -> memref<10000x128xf32, #tpu.memory_space<hbm>>
      %dma_start3A_58 = arith.constant 0 : i32
      %dma_start3A_59 = arith.constant 0 : i32
      %dma_start3A_60 = tpu.memref_slice %dma_start3A_57[%dma_start3A_58, %dma_start3A_59] : memref<10000x128xf32, #tpu.memory_space<hbm>> -> memref<10000x128xf32, #tpu.memory_space<hbm>>
      tpu.enqueue_indirect_dma source(%dma_start3A_60 : memref<10000x128xf32, #tpu.memory_space<hbm>>) target(%arg8 : memref<128x128xf32, #tpu.memory_space<vmem>>) offsets(%dma_start3A_53 : memref<128xi32, #tpu.memory_space<vmem>>) semaphore(%arg11 : memref<!tpu.dma_semaphore, #tpu.memory_space<semaphore_mem>>)
      %scan3A_61 = arith.constant 0 : i32
      %scan3A_62 = arith.constant 0 : i32
      %scan3A_63 = arith.constant 16 : i32
      %scan3A_64 = arith.addi %scan3A_62, %scan3A_63 : i32
      %scan3A_65 = arith.constant 1 : i32
      scf.for %scan3A_67 = %scan3A_62 to %scan3A_64 step %scan3A_65  : i32 {
        %mul3A_68 = arith.constant 2 : i32
        %mul3A_69 = arith.muli %mul3A_68, %scan3A_67 : i32
        %add3A_70 = arith.constant 1 : i32
        %add3A_71 = arith.addi %mul3A_69, %add3A_70 : i32
        %dma_start3A_72 = arith.constant 0 : i32
        %dma_start3A_73 = tpu.memref_slice %arg6[%add3A_71, %dma_start3A_72] : memref<32x128xi32, #tpu.memory_space<vmem>> -> memref<1x128xi32, #tpu.memory_space<vmem>>
        %dma_start3A_74 = tpu.memref_squeeze %dma_start3A_73 : memref<1x128xi32, #tpu.memory_space<vmem>> -> memref<128xi32, #tpu.memory_space<vmem>>
        %dma_start3A_75 = arith.constant 0 : i32
        %dma_start3A_76 = arith.constant 0 : i32
        %dma_start3A_77 = tpu.memref_slice %arg2[%arg0, %dma_start3A_75, %dma_start3A_76] : memref<2x10000x128xf32, #tpu.memory_space<hbm>> -> memref<1x10000x128xf32, #tpu.memory_space<hbm>>
        %dma_start3A_78 = tpu.memref_squeeze %dma_start3A_77 : memref<1x10000x128xf32, #tpu.memory_space<hbm>> -> memref<10000x128xf32, #tpu.memory_space<hbm>>
        %dma_start3A_79 = arith.constant 0 : i32
        %dma_start3A_80 = arith.constant 0 : i32
        %dma_start3A_81 = tpu.memref_slice %dma_start3A_78[%dma_start3A_79, %dma_start3A_80] : memref<10000x128xf32, #tpu.memory_space<hbm>> -> memref<10000x128xf32, #tpu.memory_space<hbm>>
        tpu.enqueue_indirect_dma source(%dma_start3A_81 : memref<10000x128xf32, #tpu.memory_space<hbm>>) target(%arg9 : memref<128x128xf32, #tpu.memory_space<vmem>>) offsets(%dma_start3A_74 : memref<128xi32, #tpu.memory_space<vmem>>) semaphore(%arg12 : memref<!tpu.dma_semaphore, #tpu.memory_space<semaphore_mem>>)
        %dma_wait3A = arith.constant 0 : i32
        %dma_wait3A_82 = tpu.memref_slice %arg6[%mul3A_69, %dma_wait3A] : memref<32x128xi32, #tpu.memory_space<vmem>> -> memref<1x128xi32, #tpu.memory_space<vmem>>
        %dma_wait3A_83 = tpu.memref_squeeze %dma_wait3A_82 : memref<1x128xi32, #tpu.memory_space<vmem>> -> memref<128xi32, #tpu.memory_space<vmem>>
        %dma_wait3A_84 = arith.constant 0 : i32
        %dma_wait3A_85 = arith.constant 0 : i32
        %dma_wait3A_86 = tpu.memref_slice %arg2[%arg0, %dma_wait3A_84, %dma_wait3A_85] : memref<2x10000x128xf32, #tpu.memory_space<hbm>> -> memref<1x10000x128xf32, #tpu.memory_space<hbm>>
        %dma_wait3A_87 = tpu.memref_squeeze %dma_wait3A_86 : memref<1x10000x128xf32, #tpu.memory_space<hbm>> -> memref<10000x128xf32, #tpu.memory_space<hbm>>
        %dma_wait3A_88 = arith.constant 0 : i32
        %dma_wait3A_89 = arith.constant 0 : i32
        %dma_wait3A_90 = tpu.memref_slice %dma_wait3A_87[%dma_wait3A_88, %dma_wait3A_89] : memref<10000x128xf32, #tpu.memory_space<hbm>> -> memref<10000x128xf32, #tpu.memory_space<hbm>>
        tpu.wait_indirect_dma semaphore(%arg11 : memref<!tpu.dma_semaphore, #tpu.memory_space<semaphore_mem>>) src(%dma_wait3A_90 : memref<10000x128xf32, #tpu.memory_space<hbm>>) dst(%arg8 : memref<128x128xf32, #tpu.memory_space<vmem>>)
        "tpu.region"() ({
          %run_scoped3A = tpu.sem_alloc : memref<!tpu.dma_semaphore, #tpu.memory_space<semaphore_mem>>
          %dma_start3A_105 = arith.constant 0 : i32
          %dma_start3A_106 = tpu.memref_slice %arg7[%mul3A_69, %dma_start3A_105] : memref<32x128xi32, #tpu.memory_space<vmem>> -> memref<1x128xi32, #tpu.memory_space<vmem>>
          %dma_start3A_107 = tpu.memref_squeeze %dma_start3A_106 : memref<1x128xi32, #tpu.memory_space<vmem>> -> memref<128xi32, #tpu.memory_space<vmem>>
          %dma_start3A_108 = arith.constant 0 : i32
          %dma_start3A_109 = arith.constant 0 : i32
          %dma_start3A_110 = tpu.memref_slice %arg10[%dma_start3A_108, %dma_start3A_109] : memref<10240x128xf32, #tpu.memory_space<vmem_shared>> -> memref<10240x128xf32, #tpu.memory_space<vmem_shared>>
          tpu.enqueue_indirect_dma source(%arg8 : memref<128x128xf32, #tpu.memory_space<vmem>>) target(%dma_start3A_110 : memref<10240x128xf32, #tpu.memory_space<vmem_shared>>) offsets(%dma_start3A_107 : memref<128xi32, #tpu.memory_space<vmem>>) semaphore(%run_scoped3A : memref<!tpu.dma_semaphore, #tpu.memory_space<semaphore_mem>>) {add = true}
          %dma_wait3A_111 = arith.constant 0 : i32
          %dma_wait3A_112 = tpu.memref_slice %arg7[%mul3A_69, %dma_wait3A_111] : memref<32x128xi32, #tpu.memory_space<vmem>> -> memref<1x128xi32, #tpu.memory_space<vmem>>
          %dma_wait3A_113 = tpu.memref_squeeze %dma_wait3A_112 : memref<1x128xi32, #tpu.memory_space<vmem>> -> memref<128xi32, #tpu.memory_space<vmem>>
          %dma_wait3A_114 = arith.constant 0 : i32
          %dma_wait3A_115 = arith.constant 0 : i32
          %dma_wait3A_116 = tpu.memref_slice %arg10[%dma_wait3A_114, %dma_wait3A_115] : memref<10240x128xf32, #tpu.memory_space<vmem_shared>> -> memref<10240x128xf32, #tpu.memory_space<vmem_shared>>
          tpu.wait_indirect_dma semaphore(%run_scoped3A : memref<!tpu.dma_semaphore, #tpu.memory_space<semaphore_mem>>) src(%arg8 : memref<128x128xf32, #tpu.memory_space<vmem>>) dst(%dma_wait3A_116 : memref<10240x128xf32, #tpu.memory_space<vmem_shared>>)
          tpu.yield
        }) : () -> ()
        %add3A_91 = arith.constant 2 : i32
        %add3A_92 = arith.addi %mul3A_69, %add3A_91 : i32
        %lt3A = arith.constant 32 : i32
        %lt3A_93 = arith.cmpi slt, %add3A_92, %lt3A : i32
        %convert_element_type3A = arith.extui %lt3A_93 : i1 to i32
        %cond3A = arith.constant 0 : i32
        %cond3A_94 = arith.cmpi ne, %convert_element_type3A, %cond3A : i32
        scf.if %cond3A_94 {
          %add3A_105 = arith.constant 2 : i32
          %add3A_106 = arith.addi %mul3A_69, %add3A_105 : i32
          %dma_start3A_107 = arith.constant 0 : i32
          %dma_start3A_108 = tpu.memref_slice %arg6[%add3A_106, %dma_start3A_107] : memref<32x128xi32, #tpu.memory_space<vmem>> -> memref<1x128xi32, #tpu.memory_space<vmem>>
          %dma_start3A_109 = tpu.memref_squeeze %dma_start3A_108 : memref<1x128xi32, #tpu.memory_space<vmem>> -> memref<128xi32, #tpu.memory_space<vmem>>
          %dma_start3A_110 = arith.constant 0 : i32
          %dma_start3A_111 = arith.constant 0 : i32
          %dma_start3A_112 = tpu.memref_slice %arg2[%arg0, %dma_start3A_110, %dma_start3A_111] : memref<2x10000x128xf32, #tpu.memory_space<hbm>> -> memref<1x10000x128xf32, #tpu.memory_space<hbm>>
          %dma_start3A_113 = tpu.memref_squeeze %dma_start3A_112 : memref<1x10000x128xf32, #tpu.memory_space<hbm>> -> memref<10000x128xf32, #tpu.memory_space<hbm>>
          %dma_start3A_114 = arith.constant 0 : i32
          %dma_start3A_115 = arith.constant 0 : i32
          %dma_start3A_116 = tpu.memref_slice %dma_start3A_113[%dma_start3A_114, %dma_start3A_115] : memref<10000x128xf32, #tpu.memory_space<hbm>> -> memref<10000x128xf32, #tpu.memory_space<hbm>>
          tpu.enqueue_indirect_dma source(%dma_start3A_116 : memref<10000x128xf32, #tpu.memory_space<hbm>>) target(%arg8 : memref<128x128xf32, #tpu.memory_space<vmem>>) offsets(%dma_start3A_109 : memref<128xi32, #tpu.memory_space<vmem>>) semaphore(%arg11 : memref<!tpu.dma_semaphore, #tpu.memory_space<semaphore_mem>>)
        } else {
        }
        %dma_wait3A_95 = arith.constant 0 : i32
        %dma_wait3A_96 = tpu.memref_slice %arg6[%add3A_71, %dma_wait3A_95] : memref<32x128xi32, #tpu.memory_space<vmem>> -> memref<1x128xi32, #tpu.memory_space<vmem>>
        %dma_wait3A_97 = tpu.memref_squeeze %dma_wait3A_96 : memref<1x128xi32, #tpu.memory_space<vmem>> -> memref<128xi32, #tpu.memory_space<vmem>>
        %dma_wait3A_98 = arith.constant 0 : i32
        %dma_wait3A_99 = arith.constant 0 : i32
        %dma_wait3A_100 = tpu.memref_slice %arg2[%arg0, %dma_wait3A_98, %dma_wait3A_99] : memref<2x10000x128xf32, #tpu.memory_space<hbm>> -> memref<1x10000x128xf32, #tpu.memory_space<hbm>>
        %dma_wait3A_101 = tpu.memref_squeeze %dma_wait3A_100 : memref<1x10000x128xf32, #tpu.memory_space<hbm>> -> memref<10000x128xf32, #tpu.memory_space<hbm>>
        %dma_wait3A_102 = arith.constant 0 : i32
        %dma_wait3A_103 = arith.constant 0 : i32
        %dma_wait3A_104 = tpu.memref_slice %dma_wait3A_101[%dma_wait3A_102, %dma_wait3A_103] : memref<10000x128xf32, #tpu.memory_space<hbm>> -> memref<10000x128xf32, #tpu.memory_space<hbm>>
        tpu.wait_indirect_dma semaphore(%arg12 : memref<!tpu.dma_semaphore, #tpu.memory_space<semaphore_mem>>) src(%dma_wait3A_104 : memref<10000x128xf32, #tpu.memory_space<hbm>>) dst(%arg9 : memref<128x128xf32, #tpu.memory_space<vmem>>)
        "tpu.region"() ({
          %run_scoped3A = tpu.sem_alloc : memref<!tpu.dma_semaphore, #tpu.memory_space<semaphore_mem>>
          %dma_start3A_105 = arith.constant 0 : i32
          %dma_start3A_106 = tpu.memref_slice %arg7[%add3A_71, %dma_start3A_105] : memref<32x128xi32, #tpu.memory_space<vmem>> -> memref<1x128xi32, #tpu.memory_space<vmem>>
          %dma_start3A_107 = tpu.memref_squeeze %dma_start3A_106 : memref<1x128xi32, #tpu.memory_space<vmem>> -> memref<128xi32, #tpu.memory_space<vmem>>
          %dma_start3A_108 = arith.constant 0 : i32
          %dma_start3A_109 = arith.constant 0 : i32
          %dma_start3A_110 = tpu.memref_slice %arg10[%dma_start3A_108, %dma_start3A_109] : memref<10240x128xf32, #tpu.memory_space<vmem_shared>> -> memref<10240x128xf32, #tpu.memory_space<vmem_shared>>
          tpu.enqueue_indirect_dma source(%arg9 : memref<128x128xf32, #tpu.memory_space<vmem>>) target(%dma_start3A_110 : memref<10240x128xf32, #tpu.memory_space<vmem_shared>>) offsets(%dma_start3A_107 : memref<128xi32, #tpu.memory_space<vmem>>) semaphore(%run_scoped3A : memref<!tpu.dma_semaphore, #tpu.memory_space<semaphore_mem>>) {add = true}
          %dma_wait3A_111 = arith.constant 0 : i32
          %dma_wait3A_112 = tpu.memref_slice %arg7[%add3A_71, %dma_wait3A_111] : memref<32x128xi32, #tpu.memory_space<vmem>> -> memref<1x128xi32, #tpu.memory_space<vmem>>
          %dma_wait3A_113 = tpu.memref_squeeze %dma_wait3A_112 : memref<1x128xi32, #tpu.memory_space<vmem>> -> memref<128xi32, #tpu.memory_space<vmem>>
          %dma_wait3A_114 = arith.constant 0 : i32
          %dma_wait3A_115 = arith.constant 0 : i32
          %dma_wait3A_116 = tpu.memref_slice %arg10[%dma_wait3A_114, %dma_wait3A_115] : memref<10240x128xf32, #tpu.memory_space<vmem_shared>> -> memref<10240x128xf32, #tpu.memory_space<vmem_shared>>
          tpu.wait_indirect_dma semaphore(%run_scoped3A : memref<!tpu.dma_semaphore, #tpu.memory_space<semaphore_mem>>) src(%arg9 : memref<128x128xf32, #tpu.memory_space<vmem>>) dst(%dma_wait3A_116 : memref<10240x128xf32, #tpu.memory_space<vmem_shared>>)
          tpu.yield
        }) : () -> ()
      }
      %scan3A_66 = arith.constant 16 : i32
    }
    %while3A_41 = arith.constant 1 : i32
    scf.for %while3A_47 = %while3A_39 to %while3A_35 step %while3A_41  : i32 {
      %mul3A_48 = arith.constant 32 : i32
      %mul3A_49 = arith.muli %while3A_47, %mul3A_48 : i32
      %add3A_50 = arith.addi %add3A_32, %mul3A_49 : i32
      %multiple_of3A = tpu.assume_multiple %add3A_50, 8 : i32
      "tpu.region"() ({
        %run_scoped3A = tpu.sem_alloc : memref<!tpu.dma_semaphore, #tpu.memory_space<semaphore_mem>>
        %dma_start3A_67 = arith.constant 0 : i32
        %dma_start3A_68 = tpu.memref_slice %arg3[%multiple_of3A, %dma_start3A_67] : memref<2560x128xi32, #tpu.memory_space<hbm>> -> memref<32x128xi32, #tpu.memory_space<hbm>>
        %dma_start3A_69 = arith.constant 0 : i32
        %dma_start3A_70 = tpu.memref_slice %arg3[%multiple_of3A, %dma_start3A_69] : memref<2560x128xi32, #tpu.memory_space<hbm>> -> memref<32x128xi32, #tpu.memory_space<hbm>>
        tpu.enqueue_dma source(%dma_start3A_70 : memref<32x128xi32, #tpu.memory_space<hbm>>) target(%arg6 : memref<32x128xi32, #tpu.memory_space<vmem>>) target_semaphore(%run_scoped3A : memref<!tpu.dma_semaphore, #tpu.memory_space<semaphore_mem>>)
        %dma_wait3A = arith.constant 0 : i32
        %dma_wait3A_71 = tpu.memref_slice %arg3[%multiple_of3A, %dma_wait3A] : memref<2560x128xi32, #tpu.memory_space<hbm>> -> memref<32x128xi32, #tpu.memory_space<hbm>>
        %dma_wait3A_72 = arith.constant 0 : i32
        %dma_wait3A_73 = tpu.memref_slice %arg3[%multiple_of3A, %dma_wait3A_72] : memref<2560x128xi32, #tpu.memory_space<hbm>> -> memref<32x128xi32, #tpu.memory_space<hbm>>
        tpu.wait_dma2 semaphore(%run_scoped3A : memref<!tpu.dma_semaphore, #tpu.memory_space<semaphore_mem>>) src(%dma_wait3A_73 : memref<32x128xi32, #tpu.memory_space<hbm>>) dst(%arg6 : memref<32x128xi32, #tpu.memory_space<vmem>>)
        tpu.yield
      }) : () -> ()
      "tpu.region"() ({
        %run_scoped3A = tpu.sem_alloc : memref<!tpu.dma_semaphore, #tpu.memory_space<semaphore_mem>>
        %dma_start3A_67 = arith.constant 0 : i32
        %dma_start3A_68 = tpu.memref_slice %arg4[%multiple_of3A, %dma_start3A_67] : memref<2560x128xi32, #tpu.memory_space<hbm>> -> memref<32x128xi32, #tpu.memory_space<hbm>>
        %dma_start3A_69 = arith.constant 0 : i32
        %dma_start3A_70 = tpu.memref_slice %arg4[%multiple_of3A, %dma_start3A_69] : memref<2560x128xi32, #tpu.memory_space<hbm>> -> memref<32x128xi32, #tpu.memory_space<hbm>>
        tpu.enqueue_dma source(%dma_start3A_70 : memref<32x128xi32, #tpu.memory_space<hbm>>) target(%arg7 : memref<32x128xi32, #tpu.memory_space<vmem>>) target_semaphore(%run_scoped3A : memref<!tpu.dma_semaphore, #tpu.memory_space<semaphore_mem>>)
        %dma_wait3A = arith.constant 0 : i32
        %dma_wait3A_71 = tpu.memref_slice %arg4[%multiple_of3A, %dma_wait3A] : memref<2560x128xi32, #tpu.memory_space<hbm>> -> memref<32x128xi32, #tpu.memory_space<hbm>>
        %dma_wait3A_72 = arith.constant 0 : i32
        %dma_wait3A_73 = tpu.memref_slice %arg4[%multiple_of3A, %dma_wait3A_72] : memref<2560x128xi32, #tpu.memory_space<hbm>> -> memref<32x128xi32, #tpu.memory_space<hbm>>
        tpu.wait_dma2 semaphore(%run_scoped3A : memref<!tpu.dma_semaphore, #tpu.memory_space<semaphore_mem>>) src(%dma_wait3A_73 : memref<32x128xi32, #tpu.memory_space<hbm>>) dst(%arg7 : memref<32x128xi32, #tpu.memory_space<vmem>>)
        tpu.yield
      }) : () -> ()
      %dma_start3A = arith.constant 0 : i32
      %dma_start3A_51 = arith.constant 0 : i32
      %dma_start3A_52 = tpu.memref_slice %arg6[%dma_start3A, %dma_start3A_51] : memref<32x128xi32, #tpu.memory_space<vmem>> -> memref<1x128xi32, #tpu.memory_space<vmem>>
      %dma_start3A_53 = tpu.memref_squeeze %dma_start3A_52 : memref<1x128xi32, #tpu.memory_space<vmem>> -> memref<128xi32, #tpu.memory_space<vmem>>
      %dma_start3A_54 = arith.constant 0 : i32
      %dma_start3A_55 = arith.constant 0 : i32
      %dma_start3A_56 = tpu.memref_slice %arg2[%arg0, %dma_start3A_54, %dma_start3A_55] : memref<2x10000x128xf32, #tpu.memory_space<hbm>> -> memref<1x10000x128xf32, #tpu.memory_space<hbm>>
      %dma_start3A_57 = tpu.memref_squeeze %dma_start3A_56 : memref<1x10000x128xf32, #tpu.memory_space<hbm>> -> memref<10000x128xf32, #tpu.memory_space<hbm>>
      %dma_start3A_58 = arith.constant 0 : i32
      %dma_start3A_59 = arith.constant 0 : i32
      %dma_start3A_60 = tpu.memref_slice %dma_start3A_57[%dma_start3A_58, %dma_start3A_59] : memref<10000x128xf32, #tpu.memory_space<hbm>> -> memref<10000x128xf32, #tpu.memory_space<hbm>>
      tpu.enqueue_indirect_dma source(%dma_start3A_60 : memref<10000x128xf32, #tpu.memory_space<hbm>>) target(%arg8 : memref<128x128xf32, #tpu.memory_space<vmem>>) offsets(%dma_start3A_53 : memref<128xi32, #tpu.memory_space<vmem>>) semaphore(%arg11 : memref<!tpu.dma_semaphore, #tpu.memory_space<semaphore_mem>>)
      %scan3A_61 = arith.constant 0 : i32
      %scan3A_62 = arith.constant 0 : i32
      %scan3A_63 = arith.constant 16 : i32
      %scan3A_64 = arith.addi %scan3A_62, %scan3A_63 : i32
      %scan3A_65 = arith.constant 1 : i32
      scf.for %scan3A_67 = %scan3A_62 to %scan3A_64 step %scan3A_65  : i32 {
        %mul3A_68 = arith.constant 2 : i32
        %mul3A_69 = arith.muli %mul3A_68, %scan3A_67 : i32
        %add3A_70 = arith.constant 1 : i32
        %add3A_71 = arith.addi %mul3A_69, %add3A_70 : i32
        %dma_start3A_72 = arith.constant 0 : i32
        %dma_start3A_73 = tpu.memref_slice %arg6[%add3A_71, %dma_start3A_72] : memref<32x128xi32, #tpu.memory_space<vmem>> -> memref<1x128xi32, #tpu.memory_space<vmem>>
        %dma_start3A_74 = tpu.memref_squeeze %dma_start3A_73 : memref<1x128xi32, #tpu.memory_space<vmem>> -> memref<128xi32, #tpu.memory_space<vmem>>
        %dma_start3A_75 = arith.constant 0 : i32
        %dma_start3A_76 = arith.constant 0 : i32
        %dma_start3A_77 = tpu.memref_slice %arg2[%arg0, %dma_start3A_75, %dma_start3A_76] : memref<2x10000x128xf32, #tpu.memory_space<hbm>> -> memref<1x10000x128xf32, #tpu.memory_space<hbm>>
        %dma_start3A_78 = tpu.memref_squeeze %dma_start3A_77 : memref<1x10000x128xf32, #tpu.memory_space<hbm>> -> memref<10000x128xf32, #tpu.memory_space<hbm>>
        %dma_start3A_79 = arith.constant 0 : i32
        %dma_start3A_80 = arith.constant 0 : i32
        %dma_start3A_81 = tpu.memref_slice %dma_start3A_78[%dma_start3A_79, %dma_start3A_80] : memref<10000x128xf32, #tpu.memory_space<hbm>> -> memref<10000x128xf32, #tpu.memory_space<hbm>>
        tpu.enqueue_indirect_dma source(%dma_start3A_81 : memref<10000x128xf32, #tpu.memory_space<hbm>>) target(%arg9 : memref<128x128xf32, #tpu.memory_space<vmem>>) offsets(%dma_start3A_74 : memref<128xi32, #tpu.memory_space<vmem>>) semaphore(%arg12 : memref<!tpu.dma_semaphore, #tpu.memory_space<semaphore_mem>>)
        %dma_wait3A = arith.constant 0 : i32
        %dma_wait3A_82 = tpu.memref_slice %arg6[%mul3A_69, %dma_wait3A] : memref<32x128xi32, #tpu.memory_space<vmem>> -> memref<1x128xi32, #tpu.memory_space<vmem>>
        %dma_wait3A_83 = tpu.memref_squeeze %dma_wait3A_82 : memref<1x128xi32, #tpu.memory_space<vmem>> -> memref<128xi32, #tpu.memory_space<vmem>>
        %dma_wait3A_84 = arith.constant 0 : i32
        %dma_wait3A_85 = arith.constant 0 : i32
        %dma_wait3A_86 = tpu.memref_slice %arg2[%arg0, %dma_wait3A_84, %dma_wait3A_85] : memref<2x10000x128xf32, #tpu.memory_space<hbm>> -> memref<1x10000x128xf32, #tpu.memory_space<hbm>>
        %dma_wait3A_87 = tpu.memref_squeeze %dma_wait3A_86 : memref<1x10000x128xf32, #tpu.memory_space<hbm>> -> memref<10000x128xf32, #tpu.memory_space<hbm>>
        %dma_wait3A_88 = arith.constant 0 : i32
        %dma_wait3A_89 = arith.constant 0 : i32
        %dma_wait3A_90 = tpu.memref_slice %dma_wait3A_87[%dma_wait3A_88, %dma_wait3A_89] : memref<10000x128xf32, #tpu.memory_space<hbm>> -> memref<10000x128xf32, #tpu.memory_space<hbm>>
        tpu.wait_indirect_dma semaphore(%arg11 : memref<!tpu.dma_semaphore, #tpu.memory_space<semaphore_mem>>) src(%dma_wait3A_90 : memref<10000x128xf32, #tpu.memory_space<hbm>>) dst(%arg8 : memref<128x128xf32, #tpu.memory_space<vmem>>)
        "tpu.region"() ({
          %run_scoped3A = tpu.sem_alloc : memref<!tpu.dma_semaphore, #tpu.memory_space<semaphore_mem>>
          %dma_start3A_105 = arith.constant 0 : i32
          %dma_start3A_106 = tpu.memref_slice %arg7[%mul3A_69, %dma_start3A_105] : memref<32x128xi32, #tpu.memory_space<vmem>> -> memref<1x128xi32, #tpu.memory_space<vmem>>
          %dma_start3A_107 = tpu.memref_squeeze %dma_start3A_106 : memref<1x128xi32, #tpu.memory_space<vmem>> -> memref<128xi32, #tpu.memory_space<vmem>>
          %dma_start3A_108 = arith.constant 0 : i32
          %dma_start3A_109 = arith.constant 0 : i32
          %dma_start3A_110 = tpu.memref_slice %arg10[%dma_start3A_108, %dma_start3A_109] : memref<10240x128xf32, #tpu.memory_space<vmem_shared>> -> memref<10240x128xf32, #tpu.memory_space<vmem_shared>>
          tpu.enqueue_indirect_dma source(%arg8 : memref<128x128xf32, #tpu.memory_space<vmem>>) target(%dma_start3A_110 : memref<10240x128xf32, #tpu.memory_space<vmem_shared>>) offsets(%dma_start3A_107 : memref<128xi32, #tpu.memory_space<vmem>>) semaphore(%run_scoped3A : memref<!tpu.dma_semaphore, #tpu.memory_space<semaphore_mem>>) {add = true}
          %dma_wait3A_111 = arith.constant 0 : i32
          %dma_wait3A_112 = tpu.memref_slice %arg7[%mul3A_69, %dma_wait3A_111] : memref<32x128xi32, #tpu.memory_space<vmem>> -> memref<1x128xi32, #tpu.memory_space<vmem>>
          %dma_wait3A_113 = tpu.memref_squeeze %dma_wait3A_112 : memref<1x128xi32, #tpu.memory_space<vmem>> -> memref<128xi32, #tpu.memory_space<vmem>>
          %dma_wait3A_114 = arith.constant 0 : i32
          %dma_wait3A_115 = arith.constant 0 : i32
          %dma_wait3A_116 = tpu.memref_slice %arg10[%dma_wait3A_114, %dma_wait3A_115] : memref<10240x128xf32, #tpu.memory_space<vmem_shared>> -> memref<10240x128xf32, #tpu.memory_space<vmem_shared>>
          tpu.wait_indirect_dma semaphore(%run_scoped3A : memref<!tpu.dma_semaphore, #tpu.memory_space<semaphore_mem>>) src(%arg8 : memref<128x128xf32, #tpu.memory_space<vmem>>) dst(%dma_wait3A_116 : memref<10240x128xf32, #tpu.memory_space<vmem_shared>>)
          tpu.yield
        }) : () -> ()
        %add3A_91 = arith.constant 2 : i32
        %add3A_92 = arith.addi %mul3A_69, %add3A_91 : i32
        %lt3A = arith.constant 32 : i32
        %lt3A_93 = arith.cmpi slt, %add3A_92, %lt3A : i32
        %convert_element_type3A = arith.extui %lt3A_93 : i1 to i32
        %cond3A = arith.constant 0 : i32
        %cond3A_94 = arith.cmpi ne, %convert_element_type3A, %cond3A : i32
        scf.if %cond3A_94 {
          %add3A_105 = arith.constant 2 : i32
          %add3A_106 = arith.addi %mul3A_69, %add3A_105 : i32
          %dma_start3A_107 = arith.constant 0 : i32
          %dma_start3A_108 = tpu.memref_slice %arg6[%add3A_106, %dma_start3A_107] : memref<32x128xi32, #tpu.memory_space<vmem>> -> memref<1x128xi32, #tpu.memory_space<vmem>>
          %dma_start3A_109 = tpu.memref_squeeze %dma_start3A_108 : memref<1x128xi32, #tpu.memory_space<vmem>> -> memref<128xi32, #tpu.memory_space<vmem>>
          %dma_start3A_110 = arith.constant 0 : i32
          %dma_start3A_111 = arith.constant 0 : i32
          %dma_start3A_112 = tpu.memref_slice %arg2[%arg0, %dma_start3A_110, %dma_start3A_111] : memref<2x10000x128xf32, #tpu.memory_space<hbm>> -> memref<1x10000x128xf32, #tpu.memory_space<hbm>>
          %dma_start3A_113 = tpu.memref_squeeze %dma_start3A_112 : memref<1x10000x128xf32, #tpu.memory_space<hbm>> -> memref<10000x128xf32, #tpu.memory_space<hbm>>
          %dma_start3A_114 = arith.constant 0 : i32
          %dma_start3A_115 = arith.constant 0 : i32
          %dma_start3A_116 = tpu.memref_slice %dma_start3A_113[%dma_start3A_114, %dma_start3A_115] : memref<10000x128xf32, #tpu.memory_space<hbm>> -> memref<10000x128xf32, #tpu.memory_space<hbm>>
          tpu.enqueue_indirect_dma source(%dma_start3A_116 : memref<10000x128xf32, #tpu.memory_space<hbm>>) target(%arg8 : memref<128x128xf32, #tpu.memory_space<vmem>>) offsets(%dma_start3A_109 : memref<128xi32, #tpu.memory_space<vmem>>) semaphore(%arg11 : memref<!tpu.dma_semaphore, #tpu.memory_space<semaphore_mem>>)
        } else {
        }
        %dma_wait3A_95 = arith.constant 0 : i32
        %dma_wait3A_96 = tpu.memref_slice %arg6[%add3A_71, %dma_wait3A_95] : memref<32x128xi32, #tpu.memory_space<vmem>> -> memref<1x128xi32, #tpu.memory_space<vmem>>
        %dma_wait3A_97 = tpu.memref_squeeze %dma_wait3A_96 : memref<1x128xi32, #tpu.memory_space<vmem>> -> memref<128xi32, #tpu.memory_space<vmem>>
        %dma_wait3A_98 = arith.constant 0 : i32
        %dma_wait3A_99 = arith.constant 0 : i32
        %dma_wait3A_100 = tpu.memref_slice %arg2[%arg0, %dma_wait3A_98, %dma_wait3A_99] : memref<2x10000x128xf32, #tpu.memory_space<hbm>> -> memref<1x10000x128xf32, #tpu.memory_space<hbm>>
        %dma_wait3A_101 = tpu.memref_squeeze %dma_wait3A_100 : memref<1x10000x128xf32, #tpu.memory_space<hbm>> -> memref<10000x128xf32, #tpu.memory_space<hbm>>
        %dma_wait3A_102 = arith.constant 0 : i32
        %dma_wait3A_103 = arith.constant 0 : i32
        %dma_wait3A_104 = tpu.memref_slice %dma_wait3A_101[%dma_wait3A_102, %dma_wait3A_103] : memref<10000x128xf32, #tpu.memory_space<hbm>> -> memref<10000x128xf32, #tpu.memory_space<hbm>>
        tpu.wait_indirect_dma semaphore(%arg12 : memref<!tpu.dma_semaphore, #tpu.memory_space<semaphore_mem>>) src(%dma_wait3A_104 : memref<10000x128xf32, #tpu.memory_space<hbm>>) dst(%arg9 : memref<128x128xf32, #tpu.memory_space<vmem>>)
        "tpu.region"() ({
          %run_scoped3A = tpu.sem_alloc : memref<!tpu.dma_semaphore, #tpu.memory_space<semaphore_mem>>
          %dma_start3A_105 = arith.constant 0 : i32
          %dma_start3A_106 = tpu.memref_slice %arg7[%add3A_71, %dma_start3A_105] : memref<32x128xi32, #tpu.memory_space<vmem>> -> memref<1x128xi32, #tpu.memory_space<vmem>>
          %dma_start3A_107 = tpu.memref_squeeze %dma_start3A_106 : memref<1x128xi32, #tpu.memory_space<vmem>> -> memref<128xi32, #tpu.memory_space<vmem>>
          %dma_start3A_108 = arith.constant 0 : i32
          %dma_start3A_109 = arith.constant 0 : i32
          %dma_start3A_110 = tpu.memref_slice %arg10[%dma_start3A_108, %dma_start3A_109] : memref<10240x128xf32, #tpu.memory_space<vmem_shared>> -> memref<10240x128xf32, #tpu.memory_space<vmem_shared>>
          tpu.enqueue_indirect_dma source(%arg9 : memref<128x128xf32, #tpu.memory_space<vmem>>) target(%dma_start3A_110 : memref<10240x128xf32, #tpu.memory_space<vmem_shared>>) offsets(%dma_start3A_107 : memref<128xi32, #tpu.memory_space<vmem>>) semaphore(%run_scoped3A : memref<!tpu.dma_semaphore, #tpu.memory_space<semaphore_mem>>) {add = true}
          %dma_wait3A_111 = arith.constant 0 : i32
          %dma_wait3A_112 = tpu.memref_slice %arg7[%add3A_71, %dma_wait3A_111] : memref<32x128xi32, #tpu.memory_space<vmem>> -> memref<1x128xi32, #tpu.memory_space<vmem>>
          %dma_wait3A_113 = tpu.memref_squeeze %dma_wait3A_112 : memref<1x128xi32, #tpu.memory_space<vmem>> -> memref<128xi32, #tpu.memory_space<vmem>>
          %dma_wait3A_114 = arith.constant 0 : i32
          %dma_wait3A_115 = arith.constant 0 : i32
          %dma_wait3A_116 = tpu.memref_slice %arg10[%dma_wait3A_114, %dma_wait3A_115] : memref<10240x128xf32, #tpu.memory_space<vmem_shared>> -> memref<10240x128xf32, #tpu.memory_space<vmem_shared>>
          tpu.wait_indirect_dma semaphore(%run_scoped3A : memref<!tpu.dma_semaphore, #tpu.memory_space<semaphore_mem>>) src(%arg9 : memref<128x128xf32, #tpu.memory_space<vmem>>) dst(%dma_wait3A_116 : memref<10240x128xf32, #tpu.memory_space<vmem_shared>>)
          tpu.yield
        }) : () -> ()
      }
      %scan3A_66 = arith.constant 16 : i32
    }
    %barrier3A_42 = arith.constant 0 : index
    tpu.barrier barrier_id(%barrier3A_42)
    %mul3A_43 = arith.constant 640 : i32
    %mul3A_44 = arith.muli %arg1, %mul3A_43 : i32
    %mul3A_45 = arith.constant 640 : i32
    %mul3A_46 = arith.muli %arg1, %mul3A_45 : i32
    "tpu.region"() ({
      %run_scoped3A = tpu.sem_alloc : memref<!tpu.dma_semaphore, #tpu.memory_space<semaphore_mem>>
      %dma_start3A = arith.constant 0 : i32
      %dma_start3A_47 = tpu.memref_slice %arg5[%arg0, %mul3A_46, %dma_start3A] : memref<2x10240x128xf32, #tpu.memory_space<hbm>> -> memref<1x640x128xf32, #tpu.memory_space<hbm>>
      %dma_start3A_48 = tpu.memref_squeeze %dma_start3A_47 : memref<1x640x128xf32, #tpu.memory_space<hbm>> -> memref<640x128xf32, #tpu.memory_space<hbm>>
      %dma_start3A_49 = arith.constant 0 : i32
      %dma_start3A_50 = tpu.memref_slice %arg10[%mul3A_44, %dma_start3A_49] : memref<10240x128xf32, #tpu.memory_space<vmem_shared>> -> memref<640x128xf32, #tpu.memory_space<vmem_shared>>
      tpu.enqueue_dma source(%dma_start3A_50 : memref<640x128xf32, #tpu.memory_space<vmem_shared>>) target(%dma_start3A_48 : memref<640x128xf32, #tpu.memory_space<hbm>>) target_semaphore(%run_scoped3A : memref<!tpu.dma_semaphore, #tpu.memory_space<semaphore_mem>>)
      %dma_wait3A = arith.constant 0 : i32
      %dma_wait3A_51 = tpu.memref_slice %arg5[%arg0, %mul3A_46, %dma_wait3A] : memref<2x10240x128xf32, #tpu.memory_space<hbm>> -> memref<1x640x128xf32, #tpu.memory_space<hbm>>
      %dma_wait3A_52 = tpu.memref_squeeze %dma_wait3A_51 : memref<1x640x128xf32, #tpu.memory_space<hbm>> -> memref<640x128xf32, #tpu.memory_space<hbm>>
      %dma_wait3A_53 = arith.constant 0 : i32
      %dma_wait3A_54 = tpu.memref_slice %arg10[%mul3A_44, %dma_wait3A_53] : memref<10240x128xf32, #tpu.memory_space<vmem_shared>> -> memref<640x128xf32, #tpu.memory_space<vmem_shared>>
      tpu.wait_dma2 semaphore(%run_scoped3A : memref<!tpu.dma_semaphore, #tpu.memory_space<semaphore_mem>>) src(%dma_wait3A_54 : memref<640x128xf32, #tpu.memory_space<vmem_shared>>) dst(%dma_wait3A_52 : memref<640x128xf32, #tpu.memory_space<hbm>>)
      tpu.yield
    }) : () -> ()
    return
  }
}

#map = affine_map<(d0, d1) -> (0, 0, 0)>
#map1 = affine_map<(d0, d1) -> (0, 0)>
module attributes {stable_mosaic.version = 14 : i64} {
  func.func @_edge_call(%arg0: i32, %arg1: i32, %arg2: memref<2x10000x128xf32, #tpu.memory_space<hbm>>, %arg3: memref<2560x128xi32, #tpu.memory_space<hbm>>, %arg4: memref<2560x128xi32, #tpu.memory_space<hbm>>, %arg5: memref<2x10240x128xf32, #tpu.memory_space<hbm>>, %arg6: memref<32x128xi32, #tpu.memory_space<vmem>>, %arg7: memref<32x128xi32, #tpu.memory_space<vmem>>, %arg8: memref<128x128xf32, #tpu.memory_space<vmem>>, %arg9: memref<128x128xf32, #tpu.memory_space<vmem>>, %arg10: memref<10240x128xf32, #tpu.memory_space<vmem_shared>>, %arg11: memref<!tpu.dma_semaphore, #tpu.memory_space<semaphore_mem>>, %arg12: memref<!tpu.dma_semaphore, #tpu.memory_space<semaphore_mem>>) attributes {dimension_semantics = [#tpu.dimension_semantics<core_parallel>, #tpu.dimension_semantics<subcore_parallel>], iteration_bounds = array<i64: 2, 16>, scalar_prefetch = 0 : i64, scratch_operands = 7 : i64, tpu.core_type = #tpu.core_type<sc_vector_subcore>, window_params = [{transform_indices = #map}, {transform_indices = #map1}, {transform_indices = #map1}, {transform_indices = #map}]} {
    %scan3A = arith.constant 0 : i32
    %scan3A_0 = arith.constant 0 : i32
    %scan3A_1 = arith.constant 1024 : i32
    %scan3A_2 = arith.addi %scan3A_0, %scan3A_1 : i32
    %scan3A_3 = arith.constant 1 : i32
    scf.for %scan3A_47 = %scan3A_0 to %scan3A_2 step %scan3A_3  : i32 {
      %broadcast_in_dim3A = arith.constant 0.000000e+00 : f32
      %broadcast_in_dim3A_48 = vector.broadcast %broadcast_in_dim3A : f32 to vector<16xf32>
      %jit3A_49 = arith.constant 8 : i32
      %div3A = arith.divsi %scan3A_47, %jit3A_49 : i32
      %sign3A = arith.constant 0 : i32
      %sign3A_50 = arith.cmpi sgt, %scan3A_47, %sign3A : i32
      %sign3A_51 = arith.extui %sign3A_50 : i1 to i32
      %sign3A_52 = arith.constant 0 : i32
      %sign3A_53 = arith.cmpi slt, %scan3A_47, %sign3A_52 : i32
      %sign3A_54 = arith.extui %sign3A_53 : i1 to i32
      %sign3A_55 = arith.subi %sign3A_51, %sign3A_54 : i32
      %sign3A_56 = arith.constant 0 : i32
      %sign3A_57 = arith.cmpi sgt, %jit3A_49, %sign3A_56 : i32
      %sign3A_58 = arith.extui %sign3A_57 : i1 to i32
      %sign3A_59 = arith.constant 0 : i32
      %sign3A_60 = arith.cmpi slt, %jit3A_49, %sign3A_59 : i32
      %sign3A_61 = arith.extui %sign3A_60 : i1 to i32
      %sign3A_62 = arith.subi %sign3A_58, %sign3A_61 : i32
      %ne3A = arith.cmpi ne, %sign3A_55, %sign3A_62 : i32
      %rem3A = arith.remsi %scan3A_47, %jit3A_49 : i32
      %ne3A_63 = arith.constant 0 : i32
      %ne3A_64 = arith.cmpi ne, %rem3A, %ne3A_63 : i32
      %and3A = arith.andi %ne3A, %ne3A_64 : i1
      %sub3A = arith.constant 1 : i32
      %sub3A_65 = arith.subi %div3A, %sub3A : i32
      %select_n3A_66 = arith.select %and3A, %sub3A_65, %div3A : i32
      %jit3A_67 = arith.constant 8 : i32
      %eq3A_68 = arith.constant 0 : i32
      %eq3A_69 = arith.cmpi eq, %jit3A_67, %eq3A_68 : i32
      %jit3A_70 = arith.constant 1 : i32
      %select_n3A_71 = arith.select %eq3A_69, %jit3A_70, %jit3A_67 : i32
      %rem3A_72 = arith.remsi %scan3A_47, %select_n3A_71 : i32
      %ne3A_73 = arith.constant 0 : i32
      %ne3A_74 = arith.cmpi ne, %rem3A_72, %ne3A_73 : i32
      %lt3A = arith.constant 0 : i32
      %lt3A_75 = arith.cmpi slt, %rem3A_72, %lt3A : i32
      %lt3A_76 = arith.constant 0 : i32
      %lt3A_77 = arith.cmpi slt, %select_n3A_71, %lt3A_76 : i32
      %ne3A_78 = arith.xori %lt3A_75, %lt3A_77 : i1
      %and3A_79 = arith.andi %ne3A_78, %ne3A_74 : i1
      %add3A_80 = arith.addi %rem3A_72, %select_n3A_71 : i32
      %select_n3A_81 = arith.select %and3A_79, %add3A_80, %rem3A_72 : i32
      %mul3A_82 = arith.constant 16 : i32
      %mul3A_83 = arith.muli %select_n3A_81, %mul3A_82 : i32
      %swap3A = arith.index_cast %select_n3A_66 : i32 to index
      %swap3A_84 = arith.index_cast %mul3A_83 : i32 to index
      %swap3A_85 = tpu.vector_load %arg8[%swap3A, %swap3A_84] {strides = array<i32>} : memref<128x128xf32, #tpu.memory_space<vmem>>, vector<1x16xf32>,
      %swap3A_86 = vector.shape_cast %swap3A_85 : vector<1x16xf32> to vector<16xf32>
      %swap3A_87 = vector.shape_cast %broadcast_in_dim3A_48 : vector<16xf32> to vector<1x16xf32>
      tpu.vector_store %arg8[%swap3A, %swap3A_84], %swap3A_87 {strides = array<i32>} : memref<128x128xf32, #tpu.memory_space<vmem>>, vector<1x16xf32>,
    }
    %scan3A_4 = arith.constant 1024 : i32
    %mul3A = arith.constant 640 : i32
    %mul3A_5 = arith.muli %arg1, %mul3A : i32
    %add3A = arith.constant 0 : i32
    %add3A_6 = arith.addi %mul3A_5, %add3A : i32
    "tpu.region"() ({
      %run_scoped3A = tpu.sem_alloc : memref<!tpu.dma_semaphore, #tpu.memory_space<semaphore_mem>>
      %dma_start3A = arith.constant 0 : i32
      %dma_start3A_47 = tpu.memref_slice %arg10[%add3A_6, %dma_start3A] : memref<10240x128xf32, #tpu.memory_space<vmem_shared>> -> memref<128x128xf32, #tpu.memory_space<vmem_shared>>
      %dma_start3A_48 = arith.constant 0 : i32
      %dma_start3A_49 = tpu.memref_slice %arg10[%add3A_6, %dma_start3A_48] : memref<10240x128xf32, #tpu.memory_space<vmem_shared>> -> memref<128x128xf32, #tpu.memory_space<vmem_shared>>
      tpu.enqueue_dma source(%arg8 : memref<128x128xf32, #tpu.memory_space<vmem>>) target(%dma_start3A_49 : memref<128x128xf32, #tpu.memory_space<vmem_shared>>) target_semaphore(%run_scoped3A : memref<!tpu.dma_semaphore, #tpu.memory_space<semaphore_mem>>)
      %dma_wait3A = arith.constant 0 : i32
      %dma_wait3A_50 = tpu.memref_slice %arg10[%add3A_6, %dma_wait3A] : memref<10240x128xf32, #tpu.memory_space<vmem_shared>> -> memref<128x128xf32, #tpu.memory_space<vmem_shared>>
      %dma_wait3A_51 = arith.constant 0 : i32
      %dma_wait3A_52 = tpu.memref_slice %arg10[%add3A_6, %dma_wait3A_51] : memref<10240x128xf32, #tpu.memory_space<vmem_shared>> -> memref<128x128xf32, #tpu.memory_space<vmem_shared>>
      tpu.wait_dma2 semaphore(%run_scoped3A : memref<!tpu.dma_semaphore, #tpu.memory_space<semaphore_mem>>) src(%arg8 : memref<128x128xf32, #tpu.memory_space<vmem>>) dst(%dma_wait3A_52 : memref<128x128xf32, #tpu.memory_space<vmem_shared>>)
      tpu.yield
    }) : () -> ()
    %mul3A_7 = arith.constant 640 : i32
    %mul3A_8 = arith.muli %arg1, %mul3A_7 : i32
    %add3A_9 = arith.constant 128 : i32
    %add3A_10 = arith.addi %mul3A_8, %add3A_9 : i32
    "tpu.region"() ({
      %run_scoped3A = tpu.sem_alloc : memref<!tpu.dma_semaphore, #tpu.memory_space<semaphore_mem>>
      %dma_start3A = arith.constant 0 : i32
      %dma_start3A_47 = tpu.memref_slice %arg10[%add3A_10, %dma_start3A] : memref<10240x128xf32, #tpu.memory_space<vmem_shared>> -> memref<128x128xf32, #tpu.memory_space<vmem_shared>>
      %dma_start3A_48 = arith.constant 0 : i32
      %dma_start3A_49 = tpu.memref_slice %arg10[%add3A_10, %dma_start3A_48] : memref<10240x128xf32, #tpu.memory_space<vmem_shared>> -> memref<128x128xf32, #tpu.memory_space<vmem_shared>>
      tpu.enqueue_dma source(%arg8 : memref<128x128xf32, #tpu.memory_space<vmem>>) target(%dma_start3A_49 : memref<128x128xf32, #tpu.memory_space<vmem_shared>>) target_semaphore(%run_scoped3A : memref<!tpu.dma_semaphore, #tpu.memory_space<semaphore_mem>>)
      %dma_wait3A = arith.constant 0 : i32
      %dma_wait3A_50 = tpu.memref_slice %arg10[%add3A_10, %dma_wait3A] : memref<10240x128xf32, #tpu.memory_space<vmem_shared>> -> memref<128x128xf32, #tpu.memory_space<vmem_shared>>
      %dma_wait3A_51 = arith.constant 0 : i32
      %dma_wait3A_52 = tpu.memref_slice %arg10[%add3A_10, %dma_wait3A_51] : memref<10240x128xf32, #tpu.memory_space<vmem_shared>> -> memref<128x128xf32, #tpu.memory_space<vmem_shared>>
      tpu.wait_dma2 semaphore(%run_scoped3A : memref<!tpu.dma_semaphore, #tpu.memory_space<semaphore_mem>>) src(%arg8 : memref<128x128xf32, #tpu.memory_space<vmem>>) dst(%dma_wait3A_52 : memref<128x128xf32, #tpu.memory_space<vmem_shared>>)
      tpu.yield
    }) : () -> ()
    %mul3A_11 = arith.constant 640 : i32
    %mul3A_12 = arith.muli %arg1, %mul3A_11 : i32
    %add3A_13 = arith.constant 256 : i32
    %add3A_14 = arith.addi %mul3A_12, %add3A_13 : i32
    "tpu.region"() ({
      %run_scoped3A = tpu.sem_alloc : memref<!tpu.dma_semaphore, #tpu.memory_space<semaphore_mem>>
      %dma_start3A = arith.constant 0 : i32
      %dma_start3A_47 = tpu.memref_slice %arg10[%add3A_14, %dma_start3A] : memref<10240x128xf32, #tpu.memory_space<vmem_shared>> -> memref<128x128xf32, #tpu.memory_space<vmem_shared>>
      %dma_start3A_48 = arith.constant 0 : i32
      %dma_start3A_49 = tpu.memref_slice %arg10[%add3A_14, %dma_start3A_48] : memref<10240x128xf32, #tpu.memory_space<vmem_shared>> -> memref<128x128xf32, #tpu.memory_space<vmem_shared>>
      tpu.enqueue_dma source(%arg8 : memref<128x128xf32, #tpu.memory_space<vmem>>) target(%dma_start3A_49 : memref<128x128xf32, #tpu.memory_space<vmem_shared>>) target_semaphore(%run_scoped3A : memref<!tpu.dma_semaphore, #tpu.memory_space<semaphore_mem>>)
      %dma_wait3A = arith.constant 0 : i32
      %dma_wait3A_50 = tpu.memref_slice %arg10[%add3A_14, %dma_wait3A] : memref<10240x128xf32, #tpu.memory_space<vmem_shared>> -> memref<128x128xf32, #tpu.memory_space<vmem_shared>>
      %dma_wait3A_51 = arith.constant 0 : i32
      %dma_wait3A_52 = tpu.memref_slice %arg10[%add3A_14, %dma_wait3A_51] : memref<10240x128xf32, #tpu.memory_space<vmem_shared>> -> memref<128x128xf32, #tpu.memory_space<vmem_shared>>
      tpu.wait_dma2 semaphore(%run_scoped3A : memref<!tpu.dma_semaphore, #tpu.memory_space<semaphore_mem>>) src(%arg8 : memref<128x128xf32, #tpu.memory_space<vmem>>) dst(%dma_wait3A_52 : memref<128x128xf32, #tpu.memory_space<vmem_shared>>)
      tpu.yield
    }) : () -> ()
    %mul3A_15 = arith.constant 640 : i32
    %mul3A_16 = arith.muli %arg1, %mul3A_15 : i32
    %add3A_17 = arith.constant 384 : i32
    %add3A_18 = arith.addi %mul3A_16, %add3A_17 : i32
    "tpu.region"() ({
      %run_scoped3A = tpu.sem_alloc : memref<!tpu.dma_semaphore, #tpu.memory_space<semaphore_mem>>
      %dma_start3A = arith.constant 0 : i32
      %dma_start3A_47 = tpu.memref_slice %arg10[%add3A_18, %dma_start3A] : memref<10240x128xf32, #tpu.memory_space<vmem_shared>> -> memref<128x128xf32, #tpu.memory_space<vmem_shared>>
      %dma_start3A_48 = arith.constant 0 : i32
      %dma_start3A_49 = tpu.memref_slice %arg10[%add3A_18, %dma_start3A_48] : memref<10240x128xf32, #tpu.memory_space<vmem_shared>> -> memref<128x128xf32, #tpu.memory_space<vmem_shared>>
      tpu.enqueue_dma source(%arg8 : memref<128x128xf32, #tpu.memory_space<vmem>>) target(%dma_start3A_49 : memref<128x128xf32, #tpu.memory_space<vmem_shared>>) target_semaphore(%run_scoped3A : memref<!tpu.dma_semaphore, #tpu.memory_space<semaphore_mem>>)
      %dma_wait3A = arith.constant 0 : i32
      %dma_wait3A_50 = tpu.memref_slice %arg10[%add3A_18, %dma_wait3A] : memref<10240x128xf32, #tpu.memory_space<vmem_shared>> -> memref<128x128xf32, #tpu.memory_space<vmem_shared>>
      %dma_wait3A_51 = arith.constant 0 : i32
      %dma_wait3A_52 = tpu.memref_slice %arg10[%add3A_18, %dma_wait3A_51] : memref<10240x128xf32, #tpu.memory_space<vmem_shared>> -> memref<128x128xf32, #tpu.memory_space<vmem_shared>>
      tpu.wait_dma2 semaphore(%run_scoped3A : memref<!tpu.dma_semaphore, #tpu.memory_space<semaphore_mem>>) src(%arg8 : memref<128x128xf32, #tpu.memory_space<vmem>>) dst(%dma_wait3A_52 : memref<128x128xf32, #tpu.memory_space<vmem_shared>>)
      tpu.yield
    }) : () -> ()
    %mul3A_19 = arith.constant 640 : i32
    %mul3A_20 = arith.muli %arg1, %mul3A_19 : i32
    %add3A_21 = arith.constant 512 : i32
    %add3A_22 = arith.addi %mul3A_20, %add3A_21 : i32
    "tpu.region"() ({
      %run_scoped3A = tpu.sem_alloc : memref<!tpu.dma_semaphore, #tpu.memory_space<semaphore_mem>>
      %dma_start3A = arith.constant 0 : i32
      %dma_start3A_47 = tpu.memref_slice %arg10[%add3A_22, %dma_start3A] : memref<10240x128xf32, #tpu.memory_space<vmem_shared>> -> memref<128x128xf32, #tpu.memory_space<vmem_shared>>
      %dma_start3A_48 = arith.constant 0 : i32
      %dma_start3A_49 = tpu.memref_slice %arg10[%add3A_22, %dma_start3A_48] : memref<10240x128xf32, #tpu.memory_space<vmem_shared>> -> memref<128x128xf32, #tpu.memory_space<vmem_shared>>
      tpu.enqueue_dma source(%arg8 : memref<128x128xf32, #tpu.memory_space<vmem>>) target(%dma_start3A_49 : memref<128x128xf32, #tpu.memory_space<vmem_shared>>) target_semaphore(%run_scoped3A : memref<!tpu.dma_semaphore, #tpu.memory_space<semaphore_mem>>)
      %dma_wait3A = arith.constant 0 : i32
      %dma_wait3A_50 = tpu.memref_slice %arg10[%add3A_22, %dma_wait3A] : memref<10240x128xf32, #tpu.memory_space<vmem_shared>> -> memref<128x128xf32, #tpu.memory_space<vmem_shared>>
      %dma_wait3A_51 = arith.constant 0 : i32
      %dma_wait3A_52 = tpu.memref_slice %arg10[%add3A_22, %dma_wait3A_51] : memref<10240x128xf32, #tpu.memory_space<vmem_shared>> -> memref<128x128xf32, #tpu.memory_space<vmem_shared>>
      tpu.wait_dma2 semaphore(%run_scoped3A : memref<!tpu.dma_semaphore, #tpu.memory_space<semaphore_mem>>) src(%arg8 : memref<128x128xf32, #tpu.memory_space<vmem>>) dst(%dma_wait3A_52 : memref<128x128xf32, #tpu.memory_space<vmem_shared>>)
      tpu.yield
    }) : () -> ()
    %barrier3A = arith.constant 0 : index
    tpu.barrier barrier_id(%barrier3A)
    %eq3A = arith.constant 0 : i32
    %eq3A_23 = arith.cmpi eq, %arg0, %eq3A : i32
    %jit3A = arith.constant 4 : i32
    %jit3A_24 = arith.constant 1 : i32
    %select_n3A = arith.select %eq3A_23, %jit3A, %jit3A_24 : i32
    %mul3A_25 = arith.constant 160 : i32
    %mul3A_26 = arith.muli %arg1, %mul3A_25 : i32
    %eq3A_27 = arith.constant 0 : i32
    %eq3A_28 = arith.cmpi eq, %arg0, %eq3A_27 : i32
    %jit3A_29 = arith.constant 0 : i32
    %jit3A_30 = arith.constant 128 : i32
    %select_n3A_31 = arith.select %eq3A_28, %jit3A_29, %jit3A_30 : i32
    %add3A_32 = arith.addi %mul3A_26, %select_n3A_31 : i32
    %while3A = arith.constant 0 : i32
    %while3A_33 = arith.constant 0 : i32
    %while3A_34 = arith.subi %select_n3A, %while3A_33 : i32
    %while3A_35 = arith.addi %while3A_33, %while3A_34 : i32
    %while3A_36 = arith.constant 1 : i32
    %while3A_37 = arith.divsi %while3A_34, %while3A_36 : i32
    %while3A_38 = arith.muli %while3A_37, %while3A_36 : i32
    %while3A_39 = arith.addi %while3A_33, %while3A_38 : i32
    %while3A_40 = arith.constant 1 : i32
    scf.for %while3A_47 = %while3A_33 to %while3A_39 step %while3A_40  : i32 {
      %mul3A_48 = arith.constant 32 : i32
      %mul3A_49 = arith.muli %while3A_47, %mul3A_48 : i32
      %add3A_50 = arith.addi %add3A_32, %mul3A_49 : i32
      %multiple_of3A = tpu.assume_multiple %add3A_50, 8 : i32
      "tpu.region"() ({
        %run_scoped3A = tpu.sem_alloc : memref<!tpu.dma_semaphore, #tpu.memory_space<semaphore_mem>>
        %dma_start3A_67 = arith.constant 0 : i32
        %dma_start3A_68 = tpu.memref_slice %arg3[%multiple_of3A, %dma_start3A_67] : memref<2560x128xi32, #tpu.memory_space<hbm>> -> memref<32x128xi32, #tpu.memory_space<hbm>>
        %dma_start3A_69 = arith.constant 0 : i32
        %dma_start3A_70 = tpu.memref_slice %arg3[%multiple_of3A, %dma_start3A_69] : memref<2560x128xi32, #tpu.memory_space<hbm>> -> memref<32x128xi32, #tpu.memory_space<hbm>>
        tpu.enqueue_dma source(%dma_start3A_70 : memref<32x128xi32, #tpu.memory_space<hbm>>) target(%arg6 : memref<32x128xi32, #tpu.memory_space<vmem>>) target_semaphore(%run_scoped3A : memref<!tpu.dma_semaphore, #tpu.memory_space<semaphore_mem>>)
        %dma_wait3A = arith.constant 0 : i32
        %dma_wait3A_71 = tpu.memref_slice %arg3[%multiple_of3A, %dma_wait3A] : memref<2560x128xi32, #tpu.memory_space<hbm>> -> memref<32x128xi32, #tpu.memory_space<hbm>>
        %dma_wait3A_72 = arith.constant 0 : i32
        %dma_wait3A_73 = tpu.memref_slice %arg3[%multiple_of3A, %dma_wait3A_72] : memref<2560x128xi32, #tpu.memory_space<hbm>> -> memref<32x128xi32, #tpu.memory_space<hbm>>
        tpu.wait_dma2 semaphore(%run_scoped3A : memref<!tpu.dma_semaphore, #tpu.memory_space<semaphore_mem>>) src(%dma_wait3A_73 : memref<32x128xi32, #tpu.memory_space<hbm>>) dst(%arg6 : memref<32x128xi32, #tpu.memory_space<vmem>>)
        tpu.yield
      }) : () -> ()
      "tpu.region"() ({
        %run_scoped3A = tpu.sem_alloc : memref<!tpu.dma_semaphore, #tpu.memory_space<semaphore_mem>>
        %dma_start3A_67 = arith.constant 0 : i32
        %dma_start3A_68 = tpu.memref_slice %arg4[%multiple_of3A, %dma_start3A_67] : memref<2560x128xi32, #tpu.memory_space<hbm>> -> memref<32x128xi32, #tpu.memory_space<hbm>>
        %dma_start3A_69 = arith.constant 0 : i32
        %dma_start3A_70 = tpu.memref_slice %arg4[%multiple_of3A, %dma_start3A_69] : memref<2560x128xi32, #tpu.memory_space<hbm>> -> memref<32x128xi32, #tpu.memory_space<hbm>>
        tpu.enqueue_dma source(%dma_start3A_70 : memref<32x128xi32, #tpu.memory_space<hbm>>) target(%arg7 : memref<32x128xi32, #tpu.memory_space<vmem>>) target_semaphore(%run_scoped3A : memref<!tpu.dma_semaphore, #tpu.memory_space<semaphore_mem>>)
        %dma_wait3A = arith.constant 0 : i32
        %dma_wait3A_71 = tpu.memref_slice %arg4[%multiple_of3A, %dma_wait3A] : memref<2560x128xi32, #tpu.memory_space<hbm>> -> memref<32x128xi32, #tpu.memory_space<hbm>>
        %dma_wait3A_72 = arith.constant 0 : i32
        %dma_wait3A_73 = tpu.memref_slice %arg4[%multiple_of3A, %dma_wait3A_72] : memref<2560x128xi32, #tpu.memory_space<hbm>> -> memref<32x128xi32, #tpu.memory_space<hbm>>
        tpu.wait_dma2 semaphore(%run_scoped3A : memref<!tpu.dma_semaphore, #tpu.memory_space<semaphore_mem>>) src(%dma_wait3A_73 : memref<32x128xi32, #tpu.memory_space<hbm>>) dst(%arg7 : memref<32x128xi32, #tpu.memory_space<vmem>>)
        tpu.yield
      }) : () -> ()
      %dma_start3A = arith.constant 0 : i32
      %dma_start3A_51 = arith.constant 0 : i32
      %dma_start3A_52 = tpu.memref_slice %arg6[%dma_start3A, %dma_start3A_51] : memref<32x128xi32, #tpu.memory_space<vmem>> -> memref<1x128xi32, #tpu.memory_space<vmem>>
      %dma_start3A_53 = tpu.memref_squeeze %dma_start3A_52 : memref<1x128xi32, #tpu.memory_space<vmem>> -> memref<128xi32, #tpu.memory_space<vmem>>
      %dma_start3A_54 = arith.constant 0 : i32
      %dma_start3A_55 = arith.constant 0 : i32
      %dma_start3A_56 = tpu.memref_slice %arg2[%arg0, %dma_start3A_54, %dma_start3A_55] : memref<2x10000x128xf32, #tpu.memory_space<hbm>> -> memref<1x10000x128xf32, #tpu.memory_space<hbm>>
      %dma_start3A_57 = tpu.memref_squeeze %dma_start3A_56 : memref<1x10000x128xf32, #tpu.memory_space<hbm>> -> memref<10000x128xf32, #tpu.memory_space<hbm>>
      %dma_start3A_58 = arith.constant 0 : i32
      %dma_start3A_59 = arith.constant 0 : i32
      %dma_start3A_60 = tpu.memref_slice %dma_start3A_57[%dma_start3A_58, %dma_start3A_59] : memref<10000x128xf32, #tpu.memory_space<hbm>> -> memref<10000x128xf32, #tpu.memory_space<hbm>>
      tpu.enqueue_indirect_dma source(%dma_start3A_60 : memref<10000x128xf32, #tpu.memory_space<hbm>>) target(%arg8 : memref<128x128xf32, #tpu.memory_space<vmem>>) offsets(%dma_start3A_53 : memref<128xi32, #tpu.memory_space<vmem>>) semaphore(%arg11 : memref<!tpu.dma_semaphore, #tpu.memory_space<semaphore_mem>>)
      %scan3A_61 = arith.constant 0 : i32
      %scan3A_62 = arith.constant 0 : i32
      %scan3A_63 = arith.constant 16 : i32
      %scan3A_64 = arith.addi %scan3A_62, %scan3A_63 : i32
      %scan3A_65 = arith.constant 1 : i32
      scf.for %scan3A_67 = %scan3A_62 to %scan3A_64 step %scan3A_65  : i32 {
        %mul3A_68 = arith.constant 2 : i32
        %mul3A_69 = arith.muli %mul3A_68, %scan3A_67 : i32
        %add3A_70 = arith.constant 1 : i32
        %add3A_71 = arith.addi %mul3A_69, %add3A_70 : i32
        %dma_start3A_72 = arith.constant 0 : i32
        %dma_start3A_73 = tpu.memref_slice %arg6[%add3A_71, %dma_start3A_72] : memref<32x128xi32, #tpu.memory_space<vmem>> -> memref<1x128xi32, #tpu.memory_space<vmem>>
        %dma_start3A_74 = tpu.memref_squeeze %dma_start3A_73 : memref<1x128xi32, #tpu.memory_space<vmem>> -> memref<128xi32, #tpu.memory_space<vmem>>
        %dma_start3A_75 = arith.constant 0 : i32
        %dma_start3A_76 = arith.constant 0 : i32
        %dma_start3A_77 = tpu.memref_slice %arg2[%arg0, %dma_start3A_75, %dma_start3A_76] : memref<2x10000x128xf32, #tpu.memory_space<hbm>> -> memref<1x10000x128xf32, #tpu.memory_space<hbm>>
        %dma_start3A_78 = tpu.memref_squeeze %dma_start3A_77 : memref<1x10000x128xf32, #tpu.memory_space<hbm>> -> memref<10000x128xf32, #tpu.memory_space<hbm>>
        %dma_start3A_79 = arith.constant 0 : i32
        %dma_start3A_80 = arith.constant 0 : i32
        %dma_start3A_81 = tpu.memref_slice %dma_start3A_78[%dma_start3A_79, %dma_start3A_80] : memref<10000x128xf32, #tpu.memory_space<hbm>> -> memref<10000x128xf32, #tpu.memory_space<hbm>>
        tpu.enqueue_indirect_dma source(%dma_start3A_81 : memref<10000x128xf32, #tpu.memory_space<hbm>>) target(%arg9 : memref<128x128xf32, #tpu.memory_space<vmem>>) offsets(%dma_start3A_74 : memref<128xi32, #tpu.memory_space<vmem>>) semaphore(%arg12 : memref<!tpu.dma_semaphore, #tpu.memory_space<semaphore_mem>>)
        %dma_wait3A = arith.constant 0 : i32
        %dma_wait3A_82 = tpu.memref_slice %arg6[%mul3A_69, %dma_wait3A] : memref<32x128xi32, #tpu.memory_space<vmem>> -> memref<1x128xi32, #tpu.memory_space<vmem>>
        %dma_wait3A_83 = tpu.memref_squeeze %dma_wait3A_82 : memref<1x128xi32, #tpu.memory_space<vmem>> -> memref<128xi32, #tpu.memory_space<vmem>>
        %dma_wait3A_84 = arith.constant 0 : i32
        %dma_wait3A_85 = arith.constant 0 : i32
        %dma_wait3A_86 = tpu.memref_slice %arg2[%arg0, %dma_wait3A_84, %dma_wait3A_85] : memref<2x10000x128xf32, #tpu.memory_space<hbm>> -> memref<1x10000x128xf32, #tpu.memory_space<hbm>>
        %dma_wait3A_87 = tpu.memref_squeeze %dma_wait3A_86 : memref<1x10000x128xf32, #tpu.memory_space<hbm>> -> memref<10000x128xf32, #tpu.memory_space<hbm>>
        %dma_wait3A_88 = arith.constant 0 : i32
        %dma_wait3A_89 = arith.constant 0 : i32
        %dma_wait3A_90 = tpu.memref_slice %dma_wait3A_87[%dma_wait3A_88, %dma_wait3A_89] : memref<10000x128xf32, #tpu.memory_space<hbm>> -> memref<10000x128xf32, #tpu.memory_space<hbm>>
        tpu.wait_indirect_dma semaphore(%arg11 : memref<!tpu.dma_semaphore, #tpu.memory_space<semaphore_mem>>) src(%dma_wait3A_90 : memref<10000x128xf32, #tpu.memory_space<hbm>>) dst(%arg8 : memref<128x128xf32, #tpu.memory_space<vmem>>)
        "tpu.region"() ({
          %run_scoped3A = tpu.sem_alloc : memref<!tpu.dma_semaphore, #tpu.memory_space<semaphore_mem>>
          %dma_start3A_105 = arith.constant 0 : i32
          %dma_start3A_106 = tpu.memref_slice %arg7[%mul3A_69, %dma_start3A_105] : memref<32x128xi32, #tpu.memory_space<vmem>> -> memref<1x128xi32, #tpu.memory_space<vmem>>
          %dma_start3A_107 = tpu.memref_squeeze %dma_start3A_106 : memref<1x128xi32, #tpu.memory_space<vmem>> -> memref<128xi32, #tpu.memory_space<vmem>>
          %dma_start3A_108 = arith.constant 0 : i32
          %dma_start3A_109 = arith.constant 0 : i32
          %dma_start3A_110 = tpu.memref_slice %arg10[%dma_start3A_108, %dma_start3A_109] : memref<10240x128xf32, #tpu.memory_space<vmem_shared>> -> memref<10240x128xf32, #tpu.memory_space<vmem_shared>>
          tpu.enqueue_indirect_dma source(%arg8 : memref<128x128xf32, #tpu.memory_space<vmem>>) target(%dma_start3A_110 : memref<10240x128xf32, #tpu.memory_space<vmem_shared>>) offsets(%dma_start3A_107 : memref<128xi32, #tpu.memory_space<vmem>>) semaphore(%run_scoped3A : memref<!tpu.dma_semaphore, #tpu.memory_space<semaphore_mem>>) {add = true}
          %dma_wait3A_111 = arith.constant 0 : i32
          %dma_wait3A_112 = tpu.memref_slice %arg7[%mul3A_69, %dma_wait3A_111] : memref<32x128xi32, #tpu.memory_space<vmem>> -> memref<1x128xi32, #tpu.memory_space<vmem>>
          %dma_wait3A_113 = tpu.memref_squeeze %dma_wait3A_112 : memref<1x128xi32, #tpu.memory_space<vmem>> -> memref<128xi32, #tpu.memory_space<vmem>>
          %dma_wait3A_114 = arith.constant 0 : i32
          %dma_wait3A_115 = arith.constant 0 : i32
          %dma_wait3A_116 = tpu.memref_slice %arg10[%dma_wait3A_114, %dma_wait3A_115] : memref<10240x128xf32, #tpu.memory_space<vmem_shared>> -> memref<10240x128xf32, #tpu.memory_space<vmem_shared>>
          tpu.wait_indirect_dma semaphore(%run_scoped3A : memref<!tpu.dma_semaphore, #tpu.memory_space<semaphore_mem>>) src(%arg8 : memref<128x128xf32, #tpu.memory_space<vmem>>) dst(%dma_wait3A_116 : memref<10240x128xf32, #tpu.memory_space<vmem_shared>>)
          tpu.yield
        }) : () -> ()
        %add3A_91 = arith.constant 2 : i32
        %add3A_92 = arith.addi %mul3A_69, %add3A_91 : i32
        %lt3A = arith.constant 32 : i32
        %lt3A_93 = arith.cmpi slt, %add3A_92, %lt3A : i32
        %convert_element_type3A = arith.extui %lt3A_93 : i1 to i32
        %cond3A = arith.constant 0 : i32
        %cond3A_94 = arith.cmpi ne, %convert_element_type3A, %cond3A : i32
        scf.if %cond3A_94 {
          %add3A_105 = arith.constant 2 : i32
          %add3A_106 = arith.addi %mul3A_69, %add3A_105 : i32
          %dma_start3A_107 = arith.constant 0 : i32
          %dma_start3A_108 = tpu.memref_slice %arg6[%add3A_106, %dma_start3A_107] : memref<32x128xi32, #tpu.memory_space<vmem>> -> memref<1x128xi32, #tpu.memory_space<vmem>>
          %dma_start3A_109 = tpu.memref_squeeze %dma_start3A_108 : memref<1x128xi32, #tpu.memory_space<vmem>> -> memref<128xi32, #tpu.memory_space<vmem>>
          %dma_start3A_110 = arith.constant 0 : i32
          %dma_start3A_111 = arith.constant 0 : i32
          %dma_start3A_112 = tpu.memref_slice %arg2[%arg0, %dma_start3A_110, %dma_start3A_111] : memref<2x10000x128xf32, #tpu.memory_space<hbm>> -> memref<1x10000x128xf32, #tpu.memory_space<hbm>>
          %dma_start3A_113 = tpu.memref_squeeze %dma_start3A_112 : memref<1x10000x128xf32, #tpu.memory_space<hbm>> -> memref<10000x128xf32, #tpu.memory_space<hbm>>
          %dma_start3A_114 = arith.constant 0 : i32
          %dma_start3A_115 = arith.constant 0 : i32
          %dma_start3A_116 = tpu.memref_slice %dma_start3A_113[%dma_start3A_114, %dma_start3A_115] : memref<10000x128xf32, #tpu.memory_space<hbm>> -> memref<10000x128xf32, #tpu.memory_space<hbm>>
          tpu.enqueue_indirect_dma source(%dma_start3A_116 : memref<10000x128xf32, #tpu.memory_space<hbm>>) target(%arg8 : memref<128x128xf32, #tpu.memory_space<vmem>>) offsets(%dma_start3A_109 : memref<128xi32, #tpu.memory_space<vmem>>) semaphore(%arg11 : memref<!tpu.dma_semaphore, #tpu.memory_space<semaphore_mem>>)
        } else {
        }
        %dma_wait3A_95 = arith.constant 0 : i32
        %dma_wait3A_96 = tpu.memref_slice %arg6[%add3A_71, %dma_wait3A_95] : memref<32x128xi32, #tpu.memory_space<vmem>> -> memref<1x128xi32, #tpu.memory_space<vmem>>
        %dma_wait3A_97 = tpu.memref_squeeze %dma_wait3A_96 : memref<1x128xi32, #tpu.memory_space<vmem>> -> memref<128xi32, #tpu.memory_space<vmem>>
        %dma_wait3A_98 = arith.constant 0 : i32
        %dma_wait3A_99 = arith.constant 0 : i32
        %dma_wait3A_100 = tpu.memref_slice %arg2[%arg0, %dma_wait3A_98, %dma_wait3A_99] : memref<2x10000x128xf32, #tpu.memory_space<hbm>> -> memref<1x10000x128xf32, #tpu.memory_space<hbm>>
        %dma_wait3A_101 = tpu.memref_squeeze %dma_wait3A_100 : memref<1x10000x128xf32, #tpu.memory_space<hbm>> -> memref<10000x128xf32, #tpu.memory_space<hbm>>
        %dma_wait3A_102 = arith.constant 0 : i32
        %dma_wait3A_103 = arith.constant 0 : i32
        %dma_wait3A_104 = tpu.memref_slice %dma_wait3A_101[%dma_wait3A_102, %dma_wait3A_103] : memref<10000x128xf32, #tpu.memory_space<hbm>> -> memref<10000x128xf32, #tpu.memory_space<hbm>>
        tpu.wait_indirect_dma semaphore(%arg12 : memref<!tpu.dma_semaphore, #tpu.memory_space<semaphore_mem>>) src(%dma_wait3A_104 : memref<10000x128xf32, #tpu.memory_space<hbm>>) dst(%arg9 : memref<128x128xf32, #tpu.memory_space<vmem>>)
        "tpu.region"() ({
          %run_scoped3A = tpu.sem_alloc : memref<!tpu.dma_semaphore, #tpu.memory_space<semaphore_mem>>
          %dma_start3A_105 = arith.constant 0 : i32
          %dma_start3A_106 = tpu.memref_slice %arg7[%add3A_71, %dma_start3A_105] : memref<32x128xi32, #tpu.memory_space<vmem>> -> memref<1x128xi32, #tpu.memory_space<vmem>>
          %dma_start3A_107 = tpu.memref_squeeze %dma_start3A_106 : memref<1x128xi32, #tpu.memory_space<vmem>> -> memref<128xi32, #tpu.memory_space<vmem>>
          %dma_start3A_108 = arith.constant 0 : i32
          %dma_start3A_109 = arith.constant 0 : i32
          %dma_start3A_110 = tpu.memref_slice %arg10[%dma_start3A_108, %dma_start3A_109] : memref<10240x128xf32, #tpu.memory_space<vmem_shared>> -> memref<10240x128xf32, #tpu.memory_space<vmem_shared>>
          tpu.enqueue_indirect_dma source(%arg9 : memref<128x128xf32, #tpu.memory_space<vmem>>) target(%dma_start3A_110 : memref<10240x128xf32, #tpu.memory_space<vmem_shared>>) offsets(%dma_start3A_107 : memref<128xi32, #tpu.memory_space<vmem>>) semaphore(%run_scoped3A : memref<!tpu.dma_semaphore, #tpu.memory_space<semaphore_mem>>) {add = true}
          %dma_wait3A_111 = arith.constant 0 : i32
          %dma_wait3A_112 = tpu.memref_slice %arg7[%add3A_71, %dma_wait3A_111] : memref<32x128xi32, #tpu.memory_space<vmem>> -> memref<1x128xi32, #tpu.memory_space<vmem>>
          %dma_wait3A_113 = tpu.memref_squeeze %dma_wait3A_112 : memref<1x128xi32, #tpu.memory_space<vmem>> -> memref<128xi32, #tpu.memory_space<vmem>>
          %dma_wait3A_114 = arith.constant 0 : i32
          %dma_wait3A_115 = arith.constant 0 : i32
          %dma_wait3A_116 = tpu.memref_slice %arg10[%dma_wait3A_114, %dma_wait3A_115] : memref<10240x128xf32, #tpu.memory_space<vmem_shared>> -> memref<10240x128xf32, #tpu.memory_space<vmem_shared>>
          tpu.wait_indirect_dma semaphore(%run_scoped3A : memref<!tpu.dma_semaphore, #tpu.memory_space<semaphore_mem>>) src(%arg9 : memref<128x128xf32, #tpu.memory_space<vmem>>) dst(%dma_wait3A_116 : memref<10240x128xf32, #tpu.memory_space<vmem_shared>>)
          tpu.yield
        }) : () -> ()
      }
      %scan3A_66 = arith.constant 16 : i32
    }
    %while3A_41 = arith.constant 1 : i32
    scf.for %while3A_47 = %while3A_39 to %while3A_35 step %while3A_41  : i32 {
      %mul3A_48 = arith.constant 32 : i32
      %mul3A_49 = arith.muli %while3A_47, %mul3A_48 : i32
      %add3A_50 = arith.addi %add3A_32, %mul3A_49 : i32
      %multiple_of3A = tpu.assume_multiple %add3A_50, 8 : i32
      "tpu.region"() ({
        %run_scoped3A = tpu.sem_alloc : memref<!tpu.dma_semaphore, #tpu.memory_space<semaphore_mem>>
        %dma_start3A_67 = arith.constant 0 : i32
        %dma_start3A_68 = tpu.memref_slice %arg3[%multiple_of3A, %dma_start3A_67] : memref<2560x128xi32, #tpu.memory_space<hbm>> -> memref<32x128xi32, #tpu.memory_space<hbm>>
        %dma_start3A_69 = arith.constant 0 : i32
        %dma_start3A_70 = tpu.memref_slice %arg3[%multiple_of3A, %dma_start3A_69] : memref<2560x128xi32, #tpu.memory_space<hbm>> -> memref<32x128xi32, #tpu.memory_space<hbm>>
        tpu.enqueue_dma source(%dma_start3A_70 : memref<32x128xi32, #tpu.memory_space<hbm>>) target(%arg6 : memref<32x128xi32, #tpu.memory_space<vmem>>) target_semaphore(%run_scoped3A : memref<!tpu.dma_semaphore, #tpu.memory_space<semaphore_mem>>)
        %dma_wait3A = arith.constant 0 : i32
        %dma_wait3A_71 = tpu.memref_slice %arg3[%multiple_of3A, %dma_wait3A] : memref<2560x128xi32, #tpu.memory_space<hbm>> -> memref<32x128xi32, #tpu.memory_space<hbm>>
        %dma_wait3A_72 = arith.constant 0 : i32
        %dma_wait3A_73 = tpu.memref_slice %arg3[%multiple_of3A, %dma_wait3A_72] : memref<2560x128xi32, #tpu.memory_space<hbm>> -> memref<32x128xi32, #tpu.memory_space<hbm>>
        tpu.wait_dma2 semaphore(%run_scoped3A : memref<!tpu.dma_semaphore, #tpu.memory_space<semaphore_mem>>) src(%dma_wait3A_73 : memref<32x128xi32, #tpu.memory_space<hbm>>) dst(%arg6 : memref<32x128xi32, #tpu.memory_space<vmem>>)
        tpu.yield
      }) : () -> ()
      "tpu.region"() ({
        %run_scoped3A = tpu.sem_alloc : memref<!tpu.dma_semaphore, #tpu.memory_space<semaphore_mem>>
        %dma_start3A_67 = arith.constant 0 : i32
        %dma_start3A_68 = tpu.memref_slice %arg4[%multiple_of3A, %dma_start3A_67] : memref<2560x128xi32, #tpu.memory_space<hbm>> -> memref<32x128xi32, #tpu.memory_space<hbm>>
        %dma_start3A_69 = arith.constant 0 : i32
        %dma_start3A_70 = tpu.memref_slice %arg4[%multiple_of3A, %dma_start3A_69] : memref<2560x128xi32, #tpu.memory_space<hbm>> -> memref<32x128xi32, #tpu.memory_space<hbm>>
        tpu.enqueue_dma source(%dma_start3A_70 : memref<32x128xi32, #tpu.memory_space<hbm>>) target(%arg7 : memref<32x128xi32, #tpu.memory_space<vmem>>) target_semaphore(%run_scoped3A : memref<!tpu.dma_semaphore, #tpu.memory_space<semaphore_mem>>)
        %dma_wait3A = arith.constant 0 : i32
        %dma_wait3A_71 = tpu.memref_slice %arg4[%multiple_of3A, %dma_wait3A] : memref<2560x128xi32, #tpu.memory_space<hbm>> -> memref<32x128xi32, #tpu.memory_space<hbm>>
        %dma_wait3A_72 = arith.constant 0 : i32
        %dma_wait3A_73 = tpu.memref_slice %arg4[%multiple_of3A, %dma_wait3A_72] : memref<2560x128xi32, #tpu.memory_space<hbm>> -> memref<32x128xi32, #tpu.memory_space<hbm>>
        tpu.wait_dma2 semaphore(%run_scoped3A : memref<!tpu.dma_semaphore, #tpu.memory_space<semaphore_mem>>) src(%dma_wait3A_73 : memref<32x128xi32, #tpu.memory_space<hbm>>) dst(%arg7 : memref<32x128xi32, #tpu.memory_space<vmem>>)
        tpu.yield
      }) : () -> ()
      %dma_start3A = arith.constant 0 : i32
      %dma_start3A_51 = arith.constant 0 : i32
      %dma_start3A_52 = tpu.memref_slice %arg6[%dma_start3A, %dma_start3A_51] : memref<32x128xi32, #tpu.memory_space<vmem>> -> memref<1x128xi32, #tpu.memory_space<vmem>>
      %dma_start3A_53 = tpu.memref_squeeze %dma_start3A_52 : memref<1x128xi32, #tpu.memory_space<vmem>> -> memref<128xi32, #tpu.memory_space<vmem>>
      %dma_start3A_54 = arith.constant 0 : i32
      %dma_start3A_55 = arith.constant 0 : i32
      %dma_start3A_56 = tpu.memref_slice %arg2[%arg0, %dma_start3A_54, %dma_start3A_55] : memref<2x10000x128xf32, #tpu.memory_space<hbm>> -> memref<1x10000x128xf32, #tpu.memory_space<hbm>>
      %dma_start3A_57 = tpu.memref_squeeze %dma_start3A_56 : memref<1x10000x128xf32, #tpu.memory_space<hbm>> -> memref<10000x128xf32, #tpu.memory_space<hbm>>
      %dma_start3A_58 = arith.constant 0 : i32
      %dma_start3A_59 = arith.constant 0 : i32
      %dma_start3A_60 = tpu.memref_slice %dma_start3A_57[%dma_start3A_58, %dma_start3A_59] : memref<10000x128xf32, #tpu.memory_space<hbm>> -> memref<10000x128xf32, #tpu.memory_space<hbm>>
      tpu.enqueue_indirect_dma source(%dma_start3A_60 : memref<10000x128xf32, #tpu.memory_space<hbm>>) target(%arg8 : memref<128x128xf32, #tpu.memory_space<vmem>>) offsets(%dma_start3A_53 : memref<128xi32, #tpu.memory_space<vmem>>) semaphore(%arg11 : memref<!tpu.dma_semaphore, #tpu.memory_space<semaphore_mem>>)
      %scan3A_61 = arith.constant 0 : i32
      %scan3A_62 = arith.constant 0 : i32
      %scan3A_63 = arith.constant 16 : i32
      %scan3A_64 = arith.addi %scan3A_62, %scan3A_63 : i32
      %scan3A_65 = arith.constant 1 : i32
      scf.for %scan3A_67 = %scan3A_62 to %scan3A_64 step %scan3A_65  : i32 {
        %mul3A_68 = arith.constant 2 : i32
        %mul3A_69 = arith.muli %mul3A_68, %scan3A_67 : i32
        %add3A_70 = arith.constant 1 : i32
        %add3A_71 = arith.addi %mul3A_69, %add3A_70 : i32
        %dma_start3A_72 = arith.constant 0 : i32
        %dma_start3A_73 = tpu.memref_slice %arg6[%add3A_71, %dma_start3A_72] : memref<32x128xi32, #tpu.memory_space<vmem>> -> memref<1x128xi32, #tpu.memory_space<vmem>>
        %dma_start3A_74 = tpu.memref_squeeze %dma_start3A_73 : memref<1x128xi32, #tpu.memory_space<vmem>> -> memref<128xi32, #tpu.memory_space<vmem>>
        %dma_start3A_75 = arith.constant 0 : i32
        %dma_start3A_76 = arith.constant 0 : i32
        %dma_start3A_77 = tpu.memref_slice %arg2[%arg0, %dma_start3A_75, %dma_start3A_76] : memref<2x10000x128xf32, #tpu.memory_space<hbm>> -> memref<1x10000x128xf32, #tpu.memory_space<hbm>>
        %dma_start3A_78 = tpu.memref_squeeze %dma_start3A_77 : memref<1x10000x128xf32, #tpu.memory_space<hbm>> -> memref<10000x128xf32, #tpu.memory_space<hbm>>
        %dma_start3A_79 = arith.constant 0 : i32
        %dma_start3A_80 = arith.constant 0 : i32
        %dma_start3A_81 = tpu.memref_slice %dma_start3A_78[%dma_start3A_79, %dma_start3A_80] : memref<10000x128xf32, #tpu.memory_space<hbm>> -> memref<10000x128xf32, #tpu.memory_space<hbm>>
        tpu.enqueue_indirect_dma source(%dma_start3A_81 : memref<10000x128xf32, #tpu.memory_space<hbm>>) target(%arg9 : memref<128x128xf32, #tpu.memory_space<vmem>>) offsets(%dma_start3A_74 : memref<128xi32, #tpu.memory_space<vmem>>) semaphore(%arg12 : memref<!tpu.dma_semaphore, #tpu.memory_space<semaphore_mem>>)
        %dma_wait3A = arith.constant 0 : i32
        %dma_wait3A_82 = tpu.memref_slice %arg6[%mul3A_69, %dma_wait3A] : memref<32x128xi32, #tpu.memory_space<vmem>> -> memref<1x128xi32, #tpu.memory_space<vmem>>
        %dma_wait3A_83 = tpu.memref_squeeze %dma_wait3A_82 : memref<1x128xi32, #tpu.memory_space<vmem>> -> memref<128xi32, #tpu.memory_space<vmem>>
        %dma_wait3A_84 = arith.constant 0 : i32
        %dma_wait3A_85 = arith.constant 0 : i32
        %dma_wait3A_86 = tpu.memref_slice %arg2[%arg0, %dma_wait3A_84, %dma_wait3A_85] : memref<2x10000x128xf32, #tpu.memory_space<hbm>> -> memref<1x10000x128xf32, #tpu.memory_space<hbm>>
        %dma_wait3A_87 = tpu.memref_squeeze %dma_wait3A_86 : memref<1x10000x128xf32, #tpu.memory_space<hbm>> -> memref<10000x128xf32, #tpu.memory_space<hbm>>
        %dma_wait3A_88 = arith.constant 0 : i32
        %dma_wait3A_89 = arith.constant 0 : i32
        %dma_wait3A_90 = tpu.memref_slice %dma_wait3A_87[%dma_wait3A_88, %dma_wait3A_89] : memref<10000x128xf32, #tpu.memory_space<hbm>> -> memref<10000x128xf32, #tpu.memory_space<hbm>>
        tpu.wait_indirect_dma semaphore(%arg11 : memref<!tpu.dma_semaphore, #tpu.memory_space<semaphore_mem>>) src(%dma_wait3A_90 : memref<10000x128xf32, #tpu.memory_space<hbm>>) dst(%arg8 : memref<128x128xf32, #tpu.memory_space<vmem>>)
        "tpu.region"() ({
          %run_scoped3A = tpu.sem_alloc : memref<!tpu.dma_semaphore, #tpu.memory_space<semaphore_mem>>
          %dma_start3A_105 = arith.constant 0 : i32
          %dma_start3A_106 = tpu.memref_slice %arg7[%mul3A_69, %dma_start3A_105] : memref<32x128xi32, #tpu.memory_space<vmem>> -> memref<1x128xi32, #tpu.memory_space<vmem>>
          %dma_start3A_107 = tpu.memref_squeeze %dma_start3A_106 : memref<1x128xi32, #tpu.memory_space<vmem>> -> memref<128xi32, #tpu.memory_space<vmem>>
          %dma_start3A_108 = arith.constant 0 : i32
          %dma_start3A_109 = arith.constant 0 : i32
          %dma_start3A_110 = tpu.memref_slice %arg10[%dma_start3A_108, %dma_start3A_109] : memref<10240x128xf32, #tpu.memory_space<vmem_shared>> -> memref<10240x128xf32, #tpu.memory_space<vmem_shared>>
          tpu.enqueue_indirect_dma source(%arg8 : memref<128x128xf32, #tpu.memory_space<vmem>>) target(%dma_start3A_110 : memref<10240x128xf32, #tpu.memory_space<vmem_shared>>) offsets(%dma_start3A_107 : memref<128xi32, #tpu.memory_space<vmem>>) semaphore(%run_scoped3A : memref<!tpu.dma_semaphore, #tpu.memory_space<semaphore_mem>>) {add = true}
          %dma_wait3A_111 = arith.constant 0 : i32
          %dma_wait3A_112 = tpu.memref_slice %arg7[%mul3A_69, %dma_wait3A_111] : memref<32x128xi32, #tpu.memory_space<vmem>> -> memref<1x128xi32, #tpu.memory_space<vmem>>
          %dma_wait3A_113 = tpu.memref_squeeze %dma_wait3A_112 : memref<1x128xi32, #tpu.memory_space<vmem>> -> memref<128xi32, #tpu.memory_space<vmem>>
          %dma_wait3A_114 = arith.constant 0 : i32
          %dma_wait3A_115 = arith.constant 0 : i32
          %dma_wait3A_116 = tpu.memref_slice %arg10[%dma_wait3A_114, %dma_wait3A_115] : memref<10240x128xf32, #tpu.memory_space<vmem_shared>> -> memref<10240x128xf32, #tpu.memory_space<vmem_shared>>
          tpu.wait_indirect_dma semaphore(%run_scoped3A : memref<!tpu.dma_semaphore, #tpu.memory_space<semaphore_mem>>) src(%arg8 : memref<128x128xf32, #tpu.memory_space<vmem>>) dst(%dma_wait3A_116 : memref<10240x128xf32, #tpu.memory_space<vmem_shared>>)
          tpu.yield
        }) : () -> ()
        %add3A_91 = arith.constant 2 : i32
        %add3A_92 = arith.addi %mul3A_69, %add3A_91 : i32
        %lt3A = arith.constant 32 : i32
        %lt3A_93 = arith.cmpi slt, %add3A_92, %lt3A : i32
        %convert_element_type3A = arith.extui %lt3A_93 : i1 to i32
        %cond3A = arith.constant 0 : i32
        %cond3A_94 = arith.cmpi ne, %convert_element_type3A, %cond3A : i32
        scf.if %cond3A_94 {
          %add3A_105 = arith.constant 2 : i32
          %add3A_106 = arith.addi %mul3A_69, %add3A_105 : i32
          %dma_start3A_107 = arith.constant 0 : i32
          %dma_start3A_108 = tpu.memref_slice %arg6[%add3A_106, %dma_start3A_107] : memref<32x128xi32, #tpu.memory_space<vmem>> -> memref<1x128xi32, #tpu.memory_space<vmem>>
          %dma_start3A_109 = tpu.memref_squeeze %dma_start3A_108 : memref<1x128xi32, #tpu.memory_space<vmem>> -> memref<128xi32, #tpu.memory_space<vmem>>
          %dma_start3A_110 = arith.constant 0 : i32
          %dma_start3A_111 = arith.constant 0 : i32
          %dma_start3A_112 = tpu.memref_slice %arg2[%arg0, %dma_start3A_110, %dma_start3A_111] : memref<2x10000x128xf32, #tpu.memory_space<hbm>> -> memref<1x10000x128xf32, #tpu.memory_space<hbm>>
          %dma_start3A_113 = tpu.memref_squeeze %dma_start3A_112 : memref<1x10000x128xf32, #tpu.memory_space<hbm>> -> memref<10000x128xf32, #tpu.memory_space<hbm>>
          %dma_start3A_114 = arith.constant 0 : i32
          %dma_start3A_115 = arith.constant 0 : i32
          %dma_start3A_116 = tpu.memref_slice %dma_start3A_113[%dma_start3A_114, %dma_start3A_115] : memref<10000x128xf32, #tpu.memory_space<hbm>> -> memref<10000x128xf32, #tpu.memory_space<hbm>>
          tpu.enqueue_indirect_dma source(%dma_start3A_116 : memref<10000x128xf32, #tpu.memory_space<hbm>>) target(%arg8 : memref<128x128xf32, #tpu.memory_space<vmem>>) offsets(%dma_start3A_109 : memref<128xi32, #tpu.memory_space<vmem>>) semaphore(%arg11 : memref<!tpu.dma_semaphore, #tpu.memory_space<semaphore_mem>>)
        } else {
        }
        %dma_wait3A_95 = arith.constant 0 : i32
        %dma_wait3A_96 = tpu.memref_slice %arg6[%add3A_71, %dma_wait3A_95] : memref<32x128xi32, #tpu.memory_space<vmem>> -> memref<1x128xi32, #tpu.memory_space<vmem>>
        %dma_wait3A_97 = tpu.memref_squeeze %dma_wait3A_96 : memref<1x128xi32, #tpu.memory_space<vmem>> -> memref<128xi32, #tpu.memory_space<vmem>>
        %dma_wait3A_98 = arith.constant 0 : i32
        %dma_wait3A_99 = arith.constant 0 : i32
        %dma_wait3A_100 = tpu.memref_slice %arg2[%arg0, %dma_wait3A_98, %dma_wait3A_99] : memref<2x10000x128xf32, #tpu.memory_space<hbm>> -> memref<1x10000x128xf32, #tpu.memory_space<hbm>>
        %dma_wait3A_101 = tpu.memref_squeeze %dma_wait3A_100 : memref<1x10000x128xf32, #tpu.memory_space<hbm>> -> memref<10000x128xf32, #tpu.memory_space<hbm>>
        %dma_wait3A_102 = arith.constant 0 : i32
        %dma_wait3A_103 = arith.constant 0 : i32
        %dma_wait3A_104 = tpu.memref_slice %dma_wait3A_101[%dma_wait3A_102, %dma_wait3A_103] : memref<10000x128xf32, #tpu.memory_space<hbm>> -> memref<10000x128xf32, #tpu.memory_space<hbm>>
        tpu.wait_indirect_dma semaphore(%arg12 : memref<!tpu.dma_semaphore, #tpu.memory_space<semaphore_mem>>) src(%dma_wait3A_104 : memref<10000x128xf32, #tpu.memory_space<hbm>>) dst(%arg9 : memref<128x128xf32, #tpu.memory_space<vmem>>)
        "tpu.region"() ({
          %run_scoped3A = tpu.sem_alloc : memref<!tpu.dma_semaphore, #tpu.memory_space<semaphore_mem>>
          %dma_start3A_105 = arith.constant 0 : i32
          %dma_start3A_106 = tpu.memref_slice %arg7[%add3A_71, %dma_start3A_105] : memref<32x128xi32, #tpu.memory_space<vmem>> -> memref<1x128xi32, #tpu.memory_space<vmem>>
          %dma_start3A_107 = tpu.memref_squeeze %dma_start3A_106 : memref<1x128xi32, #tpu.memory_space<vmem>> -> memref<128xi32, #tpu.memory_space<vmem>>
          %dma_start3A_108 = arith.constant 0 : i32
          %dma_start3A_109 = arith.constant 0 : i32
          %dma_start3A_110 = tpu.memref_slice %arg10[%dma_start3A_108, %dma_start3A_109] : memref<10240x128xf32, #tpu.memory_space<vmem_shared>> -> memref<10240x128xf32, #tpu.memory_space<vmem_shared>>
          tpu.enqueue_indirect_dma source(%arg9 : memref<128x128xf32, #tpu.memory_space<vmem>>) target(%dma_start3A_110 : memref<10240x128xf32, #tpu.memory_space<vmem_shared>>) offsets(%dma_start3A_107 : memref<128xi32, #tpu.memory_space<vmem>>) semaphore(%run_scoped3A : memref<!tpu.dma_semaphore, #tpu.memory_space<semaphore_mem>>) {add = true}
          %dma_wait3A_111 = arith.constant 0 : i32
          %dma_wait3A_112 = tpu.memref_slice %arg7[%add3A_71, %dma_wait3A_111] : memref<32x128xi32, #tpu.memory_space<vmem>> -> memref<1x128xi32, #tpu.memory_space<vmem>>
          %dma_wait3A_113 = tpu.memref_squeeze %dma_wait3A_112 : memref<1x128xi32, #tpu.memory_space<vmem>> -> memref<128xi32, #tpu.memory_space<vmem>>
          %dma_wait3A_114 = arith.constant 0 : i32
          %dma_wait3A_115 = arith.constant 0 : i32
          %dma_wait3A_116 = tpu.memref_slice %arg10[%dma_wait3A_114, %dma_wait3A_115] : memref<10240x128xf32, #tpu.memory_space<vmem_shared>> -> memref<10240x128xf32, #tpu.memory_space<vmem_shared>>
          tpu.wait_indirect_dma semaphore(%run_scoped3A : memref<!tpu.dma_semaphore, #tpu.memory_space<semaphore_mem>>) src(%arg9 : memref<128x128xf32, #tpu.memory_space<vmem>>) dst(%dma_wait3A_116 : memref<10240x128xf32, #tpu.memory_space<vmem_shared>>)
          tpu.yield
        }) : () -> ()
      }
      %scan3A_66 = arith.constant 16 : i32
    }
    %barrier3A_42 = arith.constant 0 : index
    tpu.barrier barrier_id(%barrier3A_42)
    %mul3A_43 = arith.constant 640 : i32
    %mul3A_44 = arith.muli %arg1, %mul3A_43 : i32
    %mul3A_45 = arith.constant 640 : i32
    %mul3A_46 = arith.muli %arg1, %mul3A_45 : i32
    "tpu.region"() ({
      %run_scoped3A = tpu.sem_alloc : memref<!tpu.dma_semaphore, #tpu.memory_space<semaphore_mem>>
      %dma_start3A = arith.constant 0 : i32
      %dma_start3A_47 = tpu.memref_slice %arg5[%arg0, %mul3A_46, %dma_start3A] : memref<2x10240x128xf32, #tpu.memory_space<hbm>> -> memref<1x640x128xf32, #tpu.memory_space<hbm>>
      %dma_start3A_48 = tpu.memref_squeeze %dma_start3A_47 : memref<1x640x128xf32, #tpu.memory_space<hbm>> -> memref<640x128xf32, #tpu.memory_space<hbm>>
      %dma_start3A_49 = arith.constant 0 : i32
      %dma_start3A_50 = tpu.memref_slice %arg10[%mul3A_44, %dma_start3A_49] : memref<10240x128xf32, #tpu.memory_space<vmem_shared>> -> memref<640x128xf32, #tpu.memory_space<vmem_shared>>
      tpu.enqueue_dma source(%dma_start3A_50 : memref<640x128xf32, #tpu.memory_space<vmem_shared>>) target(%dma_start3A_48 : memref<640x128xf32, #tpu.memory_space<hbm>>) target_semaphore(%run_scoped3A : memref<!tpu.dma_semaphore, #tpu.memory_space<semaphore_mem>>)
      %dma_wait3A = arith.constant 0 : i32
      %dma_wait3A_51 = tpu.memref_slice %arg5[%arg0, %mul3A_46, %dma_wait3A] : memref<2x10240x128xf32, #tpu.memory_space<hbm>> -> memref<1x640x128xf32, #tpu.memory_space<hbm>>
      %dma_wait3A_52 = tpu.memref_squeeze %dma_wait3A_51 : memref<1x640x128xf32, #tpu.memory_space<hbm>> -> memref<640x128xf32, #tpu.memory_space<hbm>>
      %dma_wait3A_53 = arith.constant 0 : i32
      %dma_wait3A_54 = tpu.memref_slice %arg10[%mul3A_44, %dma_wait3A_53] : memref<10240x128xf32, #tpu.memory_space<vmem_shared>> -> memref<640x128xf32, #tpu.memory_space<vmem_shared>>
      tpu.wait_dma2 semaphore(%run_scoped3A : memref<!tpu.dma_semaphore, #tpu.memory_space<semaphore_mem>>) src(%dma_wait3A_54 : memref<640x128xf32, #tpu.memory_space<vmem_shared>>) dst(%dma_wait3A_52 : memref<640x128xf32, #tpu.memory_space<hbm>>)
      tpu.yield
    }) : () -> ()
    return
  }
}

module attributes {stable_mosaic.version = 14 : i64} {
  func.func @_matmul_body(%arg0: memref<10000x128xf32, #tpu.memory_space<vmem>>, %arg1: memref<128x128xf32, #tpu.memory_space<vmem>>, %arg2: memref<10000x128xf32, #tpu.memory_space<vmem>>) attributes {dimension_semantics = [], scalar_prefetch = 0 : i64, scratch_operands = 0 : i64, tpu.core_type = #tpu.core_type<tc>} {
    %get3A = arith.constant 0 : index
    %get3A_0 = arith.constant 0 : index
    %get3A_1 = vector.load %arg0[%get3A, %get3A_0] : memref<10000x128xf32, #tpu.memory_space<vmem>>, vector<10000x128xf32>
    %get3A_2 = arith.constant 0 : index
    %get3A_3 = arith.constant 0 : index
    %get3A_4 = vector.load %arg1[%get3A_2, %get3A_3] : memref<128x128xf32, #tpu.memory_space<vmem>>, vector<128x128xf32>
    %dot_general3A = arith.constant dense<0.000000e+00> : vector<10000x128xf32>
    %dot_general3A_5 = tpu.matmul %get3A_1, %get3A_4, %dot_general3A {dimension_numbers = #tpu.dot_dimension_numbers<[1], [0], [0], [1], [0, 0, 1, 1], [], []>, transpose_lhs_hint = false} : vector<10000x128xf32>, vector<128x128xf32>, vector<10000x128xf32> -> vector<10000x128xf32>
    %swap3A = arith.constant 0 : index
    %swap3A_6 = arith.constant 0 : index
    %swap3A_7 = vector.load %arg2[%swap3A, %swap3A_6] : memref<10000x128xf32, #tpu.memory_space<vmem>>, vector<10000x128xf32>
    tpu.vector_store %arg2[%swap3A, %swap3A_6], %dot_general3A_5 {strides = array<i32>} : memref<10000x128xf32, #tpu.memory_space<vmem>>, vector<10000x128xf32>,
    return
  }
}

module attributes {stable_mosaic.version = 14 : i64} {
  func.func @_scale_body(%arg0: memref<10000x128xf32, #tpu.memory_space<vmem>>, %arg1: memref<10000x1xf32, #tpu.memory_space<vmem>>, %arg2: memref<10000x1xf32, #tpu.memory_space<vmem>>, %arg3: memref<2x10000x128xf32, #tpu.memory_space<vmem>>, %arg4: memref<10000x1xf32, #tpu.memory_space<vmem>>) attributes {dimension_semantics = [], scalar_prefetch = 0 : i64, scratch_operands = 0 : i64, tpu.core_type = #tpu.core_type<tc>} {
    %get3A = arith.constant 0 : index
    %get3A_0 = arith.constant 0 : index
    %get3A_1 = vector.load %arg1[%get3A, %get3A_0] : memref<10000x1xf32, #tpu.memory_space<vmem>>, vector<10000x1xf32>
    %get3A_2 = arith.constant 0 : index
    %get3A_3 = arith.constant 0 : index
    %get3A_4 = vector.load %arg2[%get3A_2, %get3A_3] : memref<10000x1xf32, #tpu.memory_space<vmem>>, vector<10000x1xf32>
    %add3A = arith.addf %get3A_1, %get3A_4 : vector<10000x1xf32>
    %add3A_5 = arith.constant 1.000000e+00 : f32
    %add3A_6 = vector.broadcast %add3A_5 : f32 to vector<10000x1xf32>
    %add3A_7 = arith.addf %add3A, %add3A_6 : vector<10000x1xf32>
    %rsqrt3A = math.rsqrt %add3A_7 : vector<10000x1xf32>
    %swap3A = arith.constant 0 : index
    %swap3A_8 = arith.constant 0 : index
    %swap3A_9 = vector.load %arg4[%swap3A, %swap3A_8] : memref<10000x1xf32, #tpu.memory_space<vmem>>, vector<10000x1xf32>
    tpu.vector_store %arg4[%swap3A, %swap3A_8], %rsqrt3A {strides = array<i32>} : memref<10000x1xf32, #tpu.memory_space<vmem>>, vector<10000x1xf32>,
    %get3A_10 = arith.constant 0 : index
    %get3A_11 = arith.constant 0 : index
    %get3A_12 = vector.load %arg0[%get3A_10, %get3A_11] : memref<10000x128xf32, #tpu.memory_space<vmem>>, vector<10000x128xf32>
    %mul3A = vector.broadcast %rsqrt3A : vector<10000x1xf32> to vector<10000x128xf32>
    %mul3A_13 = arith.mulf %get3A_12, %mul3A : vector<10000x128xf32>
    %swap3A_14 = arith.constant 0 : index
    %swap3A_15 = arith.constant 0 : index
    %swap3A_16 = arith.constant 0 : index
    %swap3A_17 = vector.load %arg3[%swap3A_14, %swap3A_15, %swap3A_16] : memref<2x10000x128xf32, #tpu.memory_space<vmem>>, vector<1x10000x128xf32>
    %swap3A_18 = vector.shape_cast %swap3A_17 : vector<1x10000x128xf32> to vector<10000x128xf32>
    %swap3A_19 = vector.shape_cast %mul3A_13 : vector<10000x128xf32> to vector<1x10000x128xf32>
    tpu.vector_store %arg3[%swap3A_14, %swap3A_15, %swap3A_16], %swap3A_19 {strides = array<i32>} : memref<2x10000x128xf32, #tpu.memory_space<vmem>>, vector<1x10000x128xf32>,
    %swap3A_20 = arith.constant 1 : index
    %swap3A_21 = arith.constant 0 : index
    %swap3A_22 = arith.constant 0 : index
    %swap3A_23 = vector.load %arg3[%swap3A_20, %swap3A_21, %swap3A_22] : memref<2x10000x128xf32, #tpu.memory_space<vmem>>, vector<1x10000x128xf32>
    %swap3A_24 = vector.shape_cast %swap3A_23 : vector<1x10000x128xf32> to vector<10000x128xf32>
    %swap3A_25 = vector.shape_cast %mul3A_13 : vector<10000x128xf32> to vector<1x10000x128xf32>
    tpu.vector_store %arg3[%swap3A_20, %swap3A_21, %swap3A_22], %swap3A_25 {strides = array<i32>} : memref<2x10000x128xf32, #tpu.memory_space<vmem>>, vector<1x10000x128xf32>,
    return
  }
}

module attributes {stable_mosaic.version = 14 : i64} {
  func.func @_stage2_body(%arg0: memref<2x10240x128xf32, #tpu.memory_space<vmem>>, %arg1: memref<2x10000x128xf32, #tpu.memory_space<vmem>>, %arg2: memref<10000x1xf32, #tpu.memory_space<vmem>>, %arg3: memref<1x128xf32, #tpu.memory_space<vmem>>, %arg4: memref<128x128xf32, #tpu.memory_space<vmem>>, %arg5: memref<2x10000x128xf32, #tpu.memory_space<vmem>>) attributes {dimension_semantics = [], scalar_prefetch = 0 : i64, scratch_operands = 0 : i64, tpu.core_type = #tpu.core_type<tc>} {
    %get3A = arith.constant 0 : index
    %get3A_0 = arith.constant 0 : index
    %get3A_1 = vector.load %arg2[%get3A, %get3A_0] : memref<10000x1xf32, #tpu.memory_space<vmem>>, vector<10000x1xf32>
    %get3A_2 = arith.constant 0 : index
    %get3A_3 = arith.constant 0 : index
    %get3A_4 = arith.constant 0 : index
    %get3A_5 = vector.load %arg0[%get3A_2, %get3A_3, %get3A_4] : memref<2x10240x128xf32, #tpu.memory_space<vmem>>, vector<1x10000x128xf32>
    %get3A_6 = vector.shape_cast %get3A_5 : vector<1x10000x128xf32> to vector<10000x128xf32>
    %get3A_7 = arith.constant 1 : index
    %get3A_8 = arith.constant 0 : index
    %get3A_9 = arith.constant 0 : index
    %get3A_10 = vector.load %arg0[%get3A_7, %get3A_8, %get3A_9] : memref<2x10240x128xf32, #tpu.memory_space<vmem>>, vector<1x10000x128xf32>
    %get3A_11 = vector.shape_cast %get3A_10 : vector<1x10000x128xf32> to vector<10000x128xf32>
    %add3A = arith.addf %get3A_6, %get3A_11 : vector<10000x128xf32>
    %get3A_12 = arith.constant 0 : index
    %get3A_13 = arith.constant 0 : index
    %get3A_14 = arith.constant 0 : index
    %get3A_15 = vector.load %arg1[%get3A_12, %get3A_13, %get3A_14] : memref<2x10000x128xf32, #tpu.memory_space<vmem>>, vector<1x10000x128xf32>
    %get3A_16 = vector.shape_cast %get3A_15 : vector<1x10000x128xf32> to vector<10000x128xf32>
    %add3A_17 = arith.addf %add3A, %get3A_16 : vector<10000x128xf32>
    %mul3A = vector.broadcast %get3A_1 : vector<10000x1xf32> to vector<10000x128xf32>
    %mul3A_18 = arith.mulf %mul3A, %add3A_17 : vector<10000x128xf32>
    %get3A_19 = arith.constant 0 : index
    %get3A_20 = arith.constant 0 : index
    %get3A_21 = vector.load %arg3[%get3A_19, %get3A_20] : memref<1x128xf32, #tpu.memory_space<vmem>>, vector<1x128xf32>
    %add3A_22 = vector.broadcast %get3A_21 : vector<1x128xf32> to vector<10000x128xf32>
    %add3A_23 = arith.addf %mul3A_18, %add3A_22 : vector<10000x128xf32>
    %max3A = arith.constant 0.000000e+00 : f32
    %max3A_24 = vector.broadcast %max3A : f32 to vector<10000x128xf32>
    %max3A_25 = arith.maximumf %add3A_23, %max3A_24 : vector<10000x128xf32>
    %get3A_26 = arith.constant 0 : index
    %get3A_27 = arith.constant 0 : index
    %get3A_28 = vector.load %arg4[%get3A_26, %get3A_27] : memref<128x128xf32, #tpu.memory_space<vmem>>, vector<128x128xf32>
    %dot_general3A = arith.constant dense<0.000000e+00> : vector<10000x128xf32>
    %dot_general3A_29 = tpu.matmul %max3A_25, %get3A_28, %dot_general3A {dimension_numbers = #tpu.dot_dimension_numbers<[1], [0], [0], [1], [0, 0, 1, 1], [], []>, transpose_lhs_hint = false} : vector<10000x128xf32>, vector<128x128xf32>, vector<10000x128xf32> -> vector<10000x128xf32>
    %mul3A_30 = vector.broadcast %get3A_1 : vector<10000x1xf32> to vector<10000x128xf32>
    %mul3A_31 = arith.mulf %dot_general3A_29, %mul3A_30 : vector<10000x128xf32>
    %swap3A = arith.constant 0 : index
    %swap3A_32 = arith.constant 0 : index
    %swap3A_33 = arith.constant 0 : index
    %swap3A_34 = vector.load %arg5[%swap3A, %swap3A_32, %swap3A_33] : memref<2x10000x128xf32, #tpu.memory_space<vmem>>, vector<1x10000x128xf32>
    %swap3A_35 = vector.shape_cast %swap3A_34 : vector<1x10000x128xf32> to vector<10000x128xf32>
    %swap3A_36 = vector.shape_cast %mul3A_31 : vector<10000x128xf32> to vector<1x10000x128xf32>
    tpu.vector_store %arg5[%swap3A, %swap3A_32, %swap3A_33], %swap3A_36 {strides = array<i32>} : memref<2x10000x128xf32, #tpu.memory_space<vmem>>, vector<1x10000x128xf32>,
    %swap3A_37 = arith.constant 1 : index
    %swap3A_38 = arith.constant 0 : index
    %swap3A_39 = arith.constant 0 : index
    %swap3A_40 = vector.load %arg5[%swap3A_37, %swap3A_38, %swap3A_39] : memref<2x10000x128xf32, #tpu.memory_space<vmem>>, vector<1x10000x128xf32>
    %swap3A_41 = vector.shape_cast %swap3A_40 : vector<1x10000x128xf32> to vector<10000x128xf32>
    %swap3A_42 = vector.shape_cast %mul3A_31 : vector<10000x128xf32> to vector<1x10000x128xf32>
    tpu.vector_store %arg5[%swap3A_37, %swap3A_38, %swap3A_39], %swap3A_42 {strides = array<i32>} : memref<2x10000x128xf32, #tpu.memory_space<vmem>>, vector<1x10000x128xf32>,
    return
  }
}

module attributes {stable_mosaic.version = 14 : i64} {
  func.func @_stage3_body(%arg0: memref<2x10240x128xf32, #tpu.memory_space<vmem>>, %arg1: memref<2x10000x128xf32, #tpu.memory_space<vmem>>, %arg2: memref<10000x1xf32, #tpu.memory_space<vmem>>, %arg3: memref<1x128xf32, #tpu.memory_space<vmem>>, %arg4: memref<10000x64xf32, #tpu.memory_space<vmem>>, %arg5: memref<10000x64xf32, #tpu.memory_space<vmem>>) attributes {dimension_semantics = [], scalar_prefetch = 0 : i64, scratch_operands = 0 : i64, tpu.core_type = #tpu.core_type<tc>} {
    %get3A = arith.constant 0 : index
    %get3A_0 = arith.constant 0 : index
    %get3A_1 = vector.load %arg2[%get3A, %get3A_0] : memref<10000x1xf32, #tpu.memory_space<vmem>>, vector<10000x1xf32>
    %get3A_2 = arith.constant 0 : index
    %get3A_3 = arith.constant 0 : index
    %get3A_4 = arith.constant 0 : index
    %get3A_5 = vector.load %arg0[%get3A_2, %get3A_3, %get3A_4] : memref<2x10240x128xf32, #tpu.memory_space<vmem>>, vector<1x10000x128xf32>
    %get3A_6 = vector.shape_cast %get3A_5 : vector<1x10000x128xf32> to vector<10000x128xf32>
    %get3A_7 = arith.constant 1 : index
    %get3A_8 = arith.constant 0 : index
    %get3A_9 = arith.constant 0 : index
    %get3A_10 = vector.load %arg0[%get3A_7, %get3A_8, %get3A_9] : memref<2x10240x128xf32, #tpu.memory_space<vmem>>, vector<1x10000x128xf32>
    %get3A_11 = vector.shape_cast %get3A_10 : vector<1x10000x128xf32> to vector<10000x128xf32>
    %add3A = arith.addf %get3A_6, %get3A_11 : vector<10000x128xf32>
    %get3A_12 = arith.constant 0 : index
    %get3A_13 = arith.constant 0 : index
    %get3A_14 = arith.constant 0 : index
    %get3A_15 = vector.load %arg1[%get3A_12, %get3A_13, %get3A_14] : memref<2x10000x128xf32, #tpu.memory_space<vmem>>, vector<1x10000x128xf32>
    %get3A_16 = vector.shape_cast %get3A_15 : vector<1x10000x128xf32> to vector<10000x128xf32>
    %add3A_17 = arith.addf %add3A, %get3A_16 : vector<10000x128xf32>
    %mul3A = vector.broadcast %get3A_1 : vector<10000x1xf32> to vector<10000x128xf32>
    %mul3A_18 = arith.mulf %mul3A, %add3A_17 : vector<10000x128xf32>
    %get3A_19 = arith.constant 0 : index
    %get3A_20 = arith.constant 0 : index
    %get3A_21 = vector.load %arg3[%get3A_19, %get3A_20] : memref<1x128xf32, #tpu.memory_space<vmem>>, vector<1x128xf32>
    %add3A_22 = vector.broadcast %get3A_21 : vector<1x128xf32> to vector<10000x128xf32>
    %add3A_23 = arith.addf %mul3A_18, %add3A_22 : vector<10000x128xf32>
    %slice3A = vector.extract_strided_slice %add3A_23 {offsets = [0, 0], sizes = [10000, 64], strides = [1, 1]} : vector<10000x128xf32> to vector<10000x64xf32>
    %swap3A = arith.constant 0 : index
    %swap3A_24 = arith.constant 0 : index
    %swap3A_25 = vector.load %arg4[%swap3A, %swap3A_24] : memref<10000x64xf32, #tpu.memory_space<vmem>>, vector<10000x64xf32>
    tpu.vector_store %arg4[%swap3A, %swap3A_24], %slice3A {strides = array<i32>} : memref<10000x64xf32, #tpu.memory_space<vmem>>, vector<10000x64xf32>,
    %slice3A_26 = vector.extract_strided_slice %add3A_23 {offsets = [0, 64], sizes = [10000, 64], strides = [1, 1]} : vector<10000x128xf32> to vector<10000x64xf32>
    %swap3A_27 = arith.constant 0 : index
    %swap3A_28 = arith.constant 0 : index
    %swap3A_29 = vector.load %arg5[%swap3A_27, %swap3A_28] : memref<10000x64xf32, #tpu.memory_space<vmem>>, vector<10000x64xf32>
    tpu.vector_store %arg5[%swap3A_27, %swap3A_28], %slice3A_26 {strides = array<i32>} : memref<10000x64xf32, #tpu.memory_space<vmem>>, vector<10000x64xf32>,
    return
  }
}

</mosaic_0001>

<sc_bundles>
// kernel: kernel.12.cloned.1.call-start
scs
__scs_entry_jumppad:
0x0: {  	(pc) =	sbr.rel $0x88, $3  }
0x1: {  	(tag) =	ssettag $0x0;
	lr =	simm.s32 $0x1  }
0x2: {  	[smem:$0x3F99] =	sst lr;
	_ =	strace $0xD0000000  }
0x3: {  	_ = 	snop  }
0x4: {  	_ = 	snop  }
0x5: {  	_ = 	snop  }
0x6: {  	_ = 	snop  }
0x7: {  	_ = 	snop  }
__scs_overlays_trampoline_lowered:
0x8: {  	[smem:$0x3FA8] =	sst s0  }
0x9: {  	[smem:$0x3FA9] =	sst s1  }
0xa: {  	[smem:$0x3FAA] =	sst s2  }
0xb: {  	[smem:$0x3FAB] =	sst s3  }
0xc: {  	[smem:$0x3FAC] =	sst s4  }
0xd: {  	[smem:$0x3FAD] =	sst s5  }
0xe: {  	[smem:$0x3FAE] =	sst s6  }
0xf: {  	[smem:$0x3FAF] =	sst s7  }
0x10: {  	[smem:$0x3FB0] =	sst s8  }
0x11: {  	[smem:$0x3FB1] =	sst s9;
	s0 =	simm.s32 @!p0 $0x0  }
0x12: {  	s1 =	sld [smem:$0x3F97];
	s0 =	simm.s32 @p0 $0x1  }
0x13: {  	[smem:$0x3FB2] =	sst s0;
	s0 =	simm.s32 @!p1 $0x0  }
0x14: {  	s2 =	sld [smem:$0x3F96];
	s0 =	simm.s32 @p1 $0x1  }
0x15: {  	[smem:$0x3FB3] =	sst s0;
	s0 =	simm.s32 @!p2 $0x0  }
0x16: {  	s3 =	sld [smem:$0x3FDB];
	s0 =	simm.s32 @p2 $0x1  }
0x17: {  	s4 =	simm.s32 $0x1BF5;
	[smem:$0x3FB5] =	sst s0  }
0x18: {  	s0 =	sld [smem:$0x3F98];
	_ =	swait.ge [sflag:s4], $0x0  }
0x19: {  	s7 =	sld [smem:$0x3F99]  }
0x1a: {  	s8 =	sadd.s32 $0xFFFFE003, lr  }
0x1b: {  	s9 =	sadd.s32 $0xFFFFFEF7, lr;
	s5 =	simm.s32 $0xFFFFFFFF;
	p2 =	slt.u32 s8, $0xFFFFF086  }
0x1c: {  	p1 =	slt.u32 s9, $0xF7A;
	s5 =	simm.s32 @!p2 $0x0  }
0x1d: {  	s5 =	simm.s32 @p1 $0x1;
	p0 =	seq.s32 s7, s2  }
0x1e: {  	s7 =	smul.u32 @!p0 $0xF7A, s2;
	p2 =	seq.s32 @!p0 s5, $0x0  }
0x1f: {  	s9 =	smul.u32 $0xF7A, s1;
	s8 =	simm.s32 @!p0 $0x1BF5;
	p2 =	por !p2, p0  }
0x20: {  	[sflag:s8] =	ssyncset.s32 @!p0 $0xFFFFF086;
	s6 =	sadd.s32 @!p0 s3, s7;
	s7 =	simm.s32 @!p0 $0x108  }
0x21: {  	s3 =	sadd.s32 s3, s9;
	s6 =	sadd.s32 @!p0 $0x88, s6;
	s7 =	simm.s32 @p2 $0x1082  }
0x22: {  	[simem:s7], [sflag:s8] =	dma.local @!p0 [hbm:s6], $0xF7A  }
0x23: {  	s9 =	sor.u32 $0xD0000000, s2;
	s6 =	simm.s32 $0x108;
	_ =	swait.ge @!p0 [sflag:s8], $0x0  }
0x24: {  	s3 =	sadd.s32 $0x88, s3;
	s6 =	simm.s32 @!p1 $0x1082;
	[sflag:s4] =	ssyncset.s32 $0xFFFFF086  }
0x25: {  	[simem:s6], [sflag:s4] =	dma.local [hbm:s3], $0xF7A  }
0x26: {  	[smem:$0x3F99] =	sst s1;
	(tag) =	ssettag s2;
	_ =	strace s9  }
0x27: {  	s1 =	sld [smem:$0x3FA9]  }
0x28: {  	s2 =	sld [smem:$0x3FAA]  }
0x29: {  	s4 =	sld [smem:$0x3FAC]  }
0x2a: {  	p0 =	seq.s32 s5, $0x0;
	s5 =	sld [smem:$0x3FAD]  }
0x2b: {  	s6 =	sld [smem:$0x3FAE]  }
0x2c: {  	s7 =	sld [smem:$0x3FAF]  }
0x2d: {  	s3 =	simm.s32 $0x108;
	s8 =	sld [smem:$0x3FB0]  }
0x2e: {  	s3 =	simm.s32 @!p0 $0x1082;
	s9 =	sld [smem:$0x3FB1]  }
0x2f: {  	lr =	sadd.s32 s0, s3;
	s0 =	sld [smem:$0x3FA8]  }
0x30: {  	s3 =	sld [smem:$0x3FAB]  }
0x31: {  	[smem:$0x3FB4] =	sst s10  }
0x32: {  	s10 =	sld [smem:$0x3FB2];
	_ =	sdelay $0x3  }
0x33: {  	p0 =	seq.s32 s10, $0x1;
	s10 =	sld [smem:$0x3FB4];
	_ =	sdelay $0x3  }
0x34: {  	[smem:$0x3FB4] =	sst s10  }
0x35: {  	s10 =	sld [smem:$0x3FB3];
	_ =	sdelay $0x3  }
0x36: {  	p1 =	seq.s32 s10, $0x1;
	s10 =	sld [smem:$0x3FB4];
	_ =	sdelay $0x3  }
0x37: {  	[smem:$0x3FB4] =	sst s10  }
0x38: {  	s10 =	sld [smem:$0x3FB5]  }
0x39: {  	_ = 	snop;
	(pc) =	sbr.ind lr, $3  }
0x3a: {  	_ = 	snop  }
0x3b: {  	_ = 	snop  }
0x3c: {  	p2 =	seq.s32 s10, $0x1;
	s10 =	sld [smem:$0x3FB4]  }
0x3d: {  	_ =	shalt  }
0x3e: {  	_ =	shalt  }
0x3f: {  	_ =	shalt  }
0x40: {  	_ =	shalt  }
0x41: {  	_ =	shalt  }
0x42: {  	_ =	shalt  }
0x43: {  	_ =	shalt  }
0x44: {  	_ =	shalt  }
0x45: {  	_ =	shalt  }
0x46: {  	_ =	shalt  }
0x47: {  	_ =	shalt  }
0x48: {  	_ =	shalt  }
0x49: {  	_ =	shalt  }
0x4a: {  	_ =	shalt  }
0x4b: {  	_ =	shalt  }
0x4c: {  	_ =	shalt  }
0x4d: {  	_ =	shalt  }
0x4e: {  	_ =	shalt  }
0x4f: {  	_ =	shalt  }
0x50: {  	_ =	shalt  }
0x51: {  	_ =	shalt  }
0x52: {  	_ =	shalt  }
0x53: {  	_ =	shalt  }
0x54: {  	_ =	shalt  }
0x55: {  	_ =	shalt  }
0x56: {  	_ =	shalt  }
0x57: {  	_ =	shalt  }
0x58: {  	_ =	shalt  }
0x59: {  	_ =	shalt  }
0x5a: {  	_ =	shalt  }
0x5b: {  	_ =	shalt  }
0x5c: {  	_ =	shalt  }
0x5d: {  	_ =	shalt  }
0x5e: {  	_ =	shalt  }
0x5f: {  	_ =	shalt  }
0x60: {  	_ =	shalt  }
0x61: {  	_ =	shalt  }
0x62: {  	_ =	shalt  }
0x63: {  	_ =	shalt  }
0x64: {  	_ =	shalt  }
0x65: {  	_ =	shalt  }
0x66: {  	_ =	shalt  }
0x67: {  	_ =	shalt  }
0x68: {  	_ =	shalt  }
0x69: {  	_ =	shalt  }
0x6a: {  	_ =	shalt  }
0x6b: {  	_ =	shalt  }
0x6c: {  	_ =	shalt  }
0x6d: {  	_ =	shalt  }
0x6e: {  	_ =	shalt  }
0x6f: {  	_ =	shalt  }
0x70: {  	_ =	shalt  }
0x71: {  	_ =	shalt  }
0x72: {  	_ =	shalt  }
0x73: {  	_ =	shalt  }
0x74: {  	_ =	shalt  }
0x75: {  	_ =	shalt  }
0x76: {  	_ =	shalt  }
0x77: {  	_ =	shalt  }
0x78: {  	_ =	shalt  }
0x79: {  	_ =	shalt  }
0x7a: {  	_ =	shalt  }
0x7b: {  	_ =	shalt  }
0x7c: {  	_ =	shalt  }
0x7d: {  	_ =	shalt  }
0x7e: {  	_ =	shalt  }
0x7f: {  	_ =	shalt  }
0x80: {  	_ =	shalt  }
0x81: {  	_ =	shalt  }
0x82: {  	_ =	shalt  }
0x83: {  	_ =	shalt  }
0x84: {  	_ =	shalt  }
0x85: {  	_ =	shalt  }
0x86: {  	_ =	shalt  }
0x87: {  	_ =	shalt  }
.Lfunc_end0:
.L_simem_size_0:
called_computation.1_lowered:
.L_overlay_start_0:
0x88: {  	s2 =	sld [smem:$0x3FD9]  }
0x89: {  	s3 =	sld [smem:$0x3FFE];
	_ =	sdelay $0x1  }
0x8a: {  	s1 =	srdreg.scid  }
0x8b: {  	s0 =	sand.u32 $0x1, s1  }
0x8c: {  	s14 =	sshll.u32 s0, $0xA;
	s2 =	sadd.s32 s3, s2  }
0x8d: {  	s2 =	sadd.s32 s2, s14  }
0x8e: {  	[smem:$0x3FC0] =	sst s2  }
0x8f: {  	_ = 	snop  }
0x90: {  	s2 =	sld [smem:$0x3FD0];
	_ =	sdelay $0x2  }
0x91: {  	s15 =	simm.s32 $0xA;
	s4 =	simm.s32 $0x10  }
0x92: {  	[smem:s4], [sflag:s15] =	dma.local [hbm:s2], $0x1  }
0x93: {  	_ =	swait.eq [sflag:s15], $0x1  }
0x94: {  	[sflag:s15] =	ssyncset.done $0x0  }
0x95: {  	s16 =	sld [smem:$0x10];
	[sflag:s15] =	ssyncadd.s32 $0xFFFFFFFF  }
0x96: {  	s17 =	sld [smem:$0x11];
	(tm) =	ssettm $0x1  }
0x97: {  	s18 =	sld [smem:$0x3FFB];
	_ =	sdelay $0x3  }
0x98: {  	_ =	strace s18  }
0x99: {  	s4 =	sld [smem:$0x3FFC];
	_ =	sdelay $0x3  }
0x9a: {  	_ =	strace s4  }
0x9b: {  	s4 =	sld [smem:$0x3FFD];
	_ =	sdelay $0x3  }
0x9c: {  	_ =	strace s4  }
0x9d: {  	_ =	strace $0x8FFFFFFF  }
0x9e: {  	s19 =	sld [smem:$0x3FDB];
	_ =	sdelay $0x1  }
0x9f: {  	s5 =	simm.s32 $_scs_section_size  }
0xa0: {  	s6 =	simm.s32 $_size__tile_overlayer_lowered;
	s7 =	simm.s32 $_tile_overlayer_lowered  }
0xa1: {  	s22 =	simm.s32 $0x1BFF;
	s21 =	sshll.u32 s7, $0x1;
	s4 =	sadd.s32 s5, s19  }
0xa2: {  	s8 =	simm.s32 $0x0;
	s20 =	sshll.u32 s6, $0x1;
	s6 =	sadd.s32 s21, s4  }
0xa3: {  	[timem:s8], [sflag:s22] =	dma.local [hbm:s6], s20  }
0xa4: {  	_ =	swait.ge [sflag:s22], s20  }
0xa5: {  	s5 =	ssub.s32 $0x0, s20;
	[sflag:s22] =	ssyncset.done $0x0  }
0xa6: {  	[sflag:s22] =	ssyncadd.s32 s5;
	_ =	sdelay $0x1  }
0xa7: {  	s23 =	simm.s32 $0x1B8B  }
0xa8: {  	_ =	swait.ge [sflag:s23], $0x1  }
0xa9: {  	[sflag:s23] =	ssyncset.done $0x0  }
0xaa: {  	s25 =	simm.s32 $0x1B8E;
	s24 =	sld [smem:$0x3FFE];
	[sflag:s23] =	ssyncadd.s32 $0xFFFFFFFF  }
0xab: {  	s26 =	simm.s32 $execute0_lowered;
	[smem:$0x3FD2] =	sst s25  }
0xac: {  	s6 =	sshll.u32 s26, $0x1;
	_ =	strace $0x80000049;
	[dreg:$0x1] =	wrdreg $0xFFFFFFFF  }
0xad: {  	s28 =	simm.s32 $_size_execute0_lowered;
	s4 =	sadd.s32 s4, s6;
	[dreg:$0x0] =	wrdreg $0x0  }
0xae: {  	s6 =	sshll.u32 s28, $0x1;
	[dreg:$0x2] =	wrdreg s4  }
0xaf: {  	[dreg:$0x3] =	wrdreg s6  }
0xb0: {  	[dreg:$0x4] =	wrdreg $0xC0  }
0xb1: {  	_ =	task [dreg:s8], $0x5FFFF  }
0xb2: {  	[dreg:$0x1] =	wrdreg $0xFFFFFFFF  }
0xb3: {  	[dreg:$0x0] =	wrdreg $0x60  }
0xb4: {  	[dreg:$0x2] =	wrdreg s24  }
0xb5: {  	[dreg:$0x3] =	wrdreg s16  }
0xb6: {  	[dreg:$0x4] =	wrdreg s17  }
0xb7: {  	[dreg:$0x5] =	wrdreg $0xA0000  }
0xb8: {  	[dreg:$0x6] =	wrdreg $0x9  }
0xb9: {  	_ =	task.clear_ibuf [dreg:s8], $0x7FFFF;
	_ =	strace $0x90000049  }
0xba: {  	s29 =	simm.s32 $0x9;
	_ =	strace $0x8000004B  }
0xbb: {  	_ =	swait.ge [sflag:s29], $0x1  }
0xbc: {  	[sflag:s29] =	ssyncadd.s32 $0xFFFFFFFF  }
0xbd: {  	_ =	strace $0x9000004B  }
0xbe: {  	_ =	sfence  }
0xbf: {  	s30 =	sld [smem:$0x0];
	_ =	sdelay $0x2  }
0xc0: {  	s31 =	sshll.u32 s1, $0xD;
	s1 =	sshrl.u32 s1, $0x2  }
0xc1: {  	s3 =	sand.u32 $0x4000, s31;
	s1 =	sadd.s32 s1, s30  }
0xc2: {  	s0 =	sor.u32 s3, s0;
	s1 =	sshll.u32 s1, $0x11  }
0xc3: {  	s0 =	sor.u32 s1, s0  }
0xc4: {  	s0 =	sadd.s32 $0x8F2B, s0  }
0xc5: {  	[sflag:s0] =	ssyncadd.remote.s32 $0x1  }
0xc6: {  	_ =	sfence.sel $0xFFFF  }
0xc7: {  	[dreg:$0x0] =	wrdreg $0xFFFFFFFF;
	(pc) =	sbr.abs _section_cstart, $3  }
0xc8: {  	[dreg:$0x1] =	wrdreg $0xFFFFFFFF  }
0xc9: {  	_ =	task.clear_ibuf [dreg:s8], $0x2FFFF;
	_ =	strace $0x9FFFFFFF  }
0xca: {  	(tm) =	ssettm $0x7FFFFFFF  }
0xcb: {  	_ =	shalt  }
tec
execute0_lowered:
.L_overlay_start_1:
0x0: {  	(tag) =	ssettag $0x1  }
0x1: {  	s6 =	rddreg [dreg:$0x0]  }
0x2: {  	s0 =	rddreg [dreg:$0x1]  }
0x3: {  	s3 =	rddreg [dreg:$0x2];
	s1 =	srdreg.scid  }
0x4: {  	s4 =	rddreg [dreg:$0x3];
	s26 =	stileid.u32  }
0x5: {  	s5 =	simm.s32 $0x0;
	s16 =	simm.s32 $0x3;
	s17 =	simm.s32 $0x1000  }
0x6: {  	s18 =	simm.s32 $0x80;
	s19 =	simm.s32 $0x6000;
	s8 =	smul.u32 $0x14000, s26  }
0x7: {  	s20 =	simm.s32 $0x1;
	s21 =	simm.s32 $0x2;
	s28 =	smul.u32 $0x50000, s26  }
0x8: {  	s23 =	simm.s32 $0x1F00;
	s22 =	sand.u32 $0x1, s1;
	s11 =	smul.u32 $0x5000, s26  }
0x9: {  	s24 =	simm.s32 $0x1F80;
	[smem:$0x7FF] =	sst s5;
	s7 =	smul.u32 $0x140000, s22  }
0xa: {  	s25 =	simm.s32 $0x0;
	s9 =	smul.u32 $0x27100, s22;
	_ =	strace $0x8000004A  }
0xb: {  	s29 =	ssub.s32 $0x2, s22;
	s15 =	sshll.u32 s22, $0xE;
	p0 =	sne.s32 s22, $0x0  }
0xc: {  	s22 =	simm.s32 $0xF80;
	s30 =	sshrl.u32 s29, $0x1;
	s31 =	sshrl.u32 s28, $0x2  }
0xd: {  	s11 =	sadd.s32 s11, s15;
	s15 =	simm.s32 $0x2000;
	s7 =	sadd.s32 s8, s7  }
0xe: {  	s12 =	sadd.s32 s9, s6;
	s14 =	ssub.s32 s29, s30;
	s7 =	sshrl.u32 s7, $0x3  }
0xf: {  	s12 =	sadd.s32 $0x2200, s12;
	s13 =	sadd.s32 s7, s6;
	s6 =	sadd.s32 s31, s4  }
0x10: {  	s14 =	smax.u32 s14, $0x1;
	s7 =	sadd.s32 $0x4000, s6;
	s8 =	sadd.s32 $0x8000, s6  }
0x11: {  	v0 =	vimm.f32 $0.0e+00;
	s9 =	sadd.s32 $0xC000, s6;
	s10 =	sadd.s32 $0x10000, s6;
	s13 =	sadd.s32 $0x50400, s13  }
.LBB2_1:
0x12: {  	s26 =	sand.u32 $0xFE00, s5  }
0x13: {  	s28 =	sand.u32 $0x70, s5;
	s29 =	sshrl.u32 s26, $0x2  }
0x14: {  	s26 =	simm.s32 $0x40;
	s29 =	sor.u32 s28, s29;
	s28 =	simm.s32 $0x0  }
.LBB2_2:
0x15: {  	p1 =	sne.s32 s26, $0xFFC0  }
0x16: {  	[tilespmem:s29+$0x2000] =	vst v0;
	s28 =	sadd.s32 $0x10, s28;
	s29 =	smov.u32 s26;
	s26 =	sadd.s32 $0x40, s26  }
.Ltmp0:
0x17: {  	(pc) =	sbr.rel @p1 .LBB2_2-.Ltmp0, $4  }
0x18: {  	_ = 	snop  }
0x19: {  	s29 =	sand.u32 $0xFE00, s29  }
0x1a: {  	s30 =	sand.u32 $0x70, s28;
	s29 =	sshrl.u32 s29, $0x2  }
0x1b: {  	s29 =	sor.u32 s30, s29  }
0x1c: {  	[tilespmem:s29+$0x2000] =	vst v0  }
0x1d: {  	[spmem:s6] =	stream.linear.scatter [tilespmem:s15], [sflag:$0x3], $0x4000, $0x38;
	[tilespmem:$0x1E000] =	vst v63  }
0x1e: {  	_ =	swait.ge [sflag:s16], $0x4000  }
0x1f: {  	[sflag:s16] =	ssyncset.done $0x0  }
0x20: {  	[sflag:s16] =	ssyncadd.s32 $0xFFFFC000  }
0x21: {  	[spmem:s7] =	stream.linear.scatter [tilespmem:s15], [sflag:$0x3], $0x4000, $0x38;
	[tilespmem:$0x1E000] =	vst v63  }
0x22: {  	_ =	swait.ge [sflag:s16], $0x4000  }
0x23: {  	[sflag:s16] =	ssyncset.done $0x0  }
0x24: {  	[sflag:s16] =	ssyncadd.s32 $0xFFFFC000  }
0x25: {  	[spmem:s8] =	stream.linear.scatter [tilespmem:s15], [sflag:$0x3], $0x4000, $0x38;
	[tilespmem:$0x1E000] =	vst v63  }
0x26: {  	_ =	swait.ge [sflag:s16], $0x4000  }
0x27: {  	[sflag:s16] =	ssyncset.done $0x0  }
0x28: {  	[sflag:s16] =	ssyncadd.s32 $0xFFFFC000  }
0x29: {  	[spmem:s9] =	stream.linear.scatter [tilespmem:s15], [sflag:$0x3], $0x4000, $0x38;
	[tilespmem:$0x1E000] =	vst v63  }
0x2a: {  	_ =	swait.ge [sflag:s16], $0x4000  }
0x2b: {  	[sflag:s16] =	ssyncset.done $0x0  }
0x2c: {  	[sflag:s16] =	ssyncadd.s32 $0xFFFFC000  }
0x2d: {  	[spmem:s10] =	stream.linear.scatter [tilespmem:s15], [sflag:$0x3], $0x4000, $0x38;
	[tilespmem:$0x1E000] =	vst v63  }
0x2e: {  	_ =	swait.ge [sflag:s16], $0x4000  }
0x2f: {  	[sflag:s16] =	ssyncset.done $0x0  }
0x30: {  	[sflag:s16] =	ssyncadd.s32 $0xFFFFC000  }
0x31: {  	s26 =	simm.s32 $0x0;
	s28 =	simm.s32 $0x0;
	[bflag:$0x0] =	sbarrier.arrive $0xFFFF  }
.LBB2_4:
0x32: {  	s29 =	sshll.u32 s28, $0xC  }
0x33: {  	s29 =	sadd.s32 s29, s11  }
0x34: {  	s29 =	sshrl.u32 s29, $0x3  }
0x35: {  	s30 =	sadd.s32 s0, s29  }
0x36: {  	[tilespmem:s26], [sflag:$0x3] =	stream.linear.gather [hbm4b:s30+s26], $0x1000, $0x38;
	[tilespmem:$0x1E000] =	vst v63  }
0x37: {  	_ =	swait.ge [sflag:s16], $0x1000  }
0x38: {  	[sflag:s16] =	ssyncset.done $0x0  }
0x39: {  	s29 =	sadd.s32 s3, s29;
	[sflag:s16] =	ssyncadd.s32 $0xFFFFF000  }
0x3a: {  	[tilespmem:s17], [sflag:$0x3] =	stream.linear.gather [hbm4b:s29+s26], $0x1000, $0x38;
	[tilespmem:$0x1E000] =	vst v63  }
0x3b: {  	_ =	swait.ge [sflag:s16], $0x1000  }
0x3c: {  	[sflag:s16] =	ssyncset.done $0x0  }
0x3d: {  	[sflag:s16] =	ssyncadd.s32 $0xFFFFF000  }
0x3e: {  	[tilespmem:s15], [sflag:$0x1] =	stream.indirect.gather [hbm4b:s12+s18], $0x80, s26, s18, $0xb8;
	[tilespmem:$0x1E000] =	vst v63  }
0x3f: {  	s29 =	simm.s32 $0x80  }
0x40: {  	[tilespmem:s19], [sflag:$0x2] =	stream.indirect.gather [hbm4b:s12+s18], $0x80, s29, s18, $0xb8;
	[tilespmem:$0x1E000] =	vst v63  }
0x41: {  	_ =	swait.ge [sflag:s20], $0x4000  }
0x42: {  	[sflag:s20] =	ssyncset.done $0x0  }
0x43: {  	s29 =	simm.s32 $0x1000;
	[sflag:s20] =	ssyncadd.s32 $0xFFFFC000  }
0x44: {  	[spmem:s4] =	stream.indirect.scatter.add.f32 [tilespmem:s15], [sflag:$0x3], $0x80, s29, s18, $0xb8;
	[tilespmem:$0x1E000] =	vst v63  }
0x45: {  	_ =	swait.ge [sflag:s16], $0x4000  }
0x46: {  	[sflag:s16] =	ssyncset.done $0x0  }
0x47: {  	s29 =	simm.s32 $0x100;
	[sflag:s16] =	ssyncadd.s32 $0xFFFFC000  }
0x48: {  	[tilespmem:s15], [sflag:$0x1] =	stream.indirect.gather [hbm4b:s12+s18], $0x80, s29, s18, $0xb8;
	[tilespmem:$0x1E000] =	vst v63  }
0x49: {  	_ =	swait.ge [sflag:s21], $0x4000  }
0x4a: {  	[sflag:s21] =	ssyncset.done $0x0  }
0x4b: {  	s29 =	simm.s32 $0x1080;
	[sflag:s21] =	ssyncadd.s32 $0xFFFFC000  }
0x4c: {  	[spmem:s4] =	stream.indirect.scatter.add.f32 [tilespmem:s19], [sflag:$0x3], $0x80, s29, s18, $0xb8;
	[tilespmem:$0x1E000] =	vst v63  }
0x4d: {  	_ =	swait.ge [sflag:s16], $0x4000  }
0x4e: {  	s30 =	simm.s32 $0x800;
	s29 =	simm.s32 $0x100;
	[sflag:s16] =	ssyncset.done $0x0  }
.LBB2_5:
0x4f: {  	s31 =	sadd.s32 $0x80, s29  }
0x50: {  	[sflag:s16] =	ssyncadd.s32 $0xFFFFC000;
	s1 =	smov.u32 s30;
	s2 =	sadd.s32 $0x400, s30  }
0x51: {  	[tilespmem:s19], [sflag:$0x2] =	stream.indirect.gather [hbm4b:s12+s18], $0x80, s31, s18, $0xb8;
	[tilespmem:$0x1E000] =	vst v63  }
0x52: {  	p1 =	sne.s32 s30, $0x3800;
	_ =	swait.ge [sflag:s20], $0x4000  }
0x53: {  	[sflag:s20] =	ssyncset.done $0x0  }
0x54: {  	s30 =	sadd.s32 $0x1000, s29;
	[sflag:s20] =	ssyncadd.s32 $0xFFFFC000  }
0x55: {  	[spmem:s4] =	stream.indirect.scatter.add.f32 [tilespmem:s15], [sflag:$0x3], $0x80, s30, s18, $0xb8;
	[tilespmem:$0x1E000] =	vst v63  }
0x56: {  	_ =	swait.ge [sflag:s16], $0x4000  }
0x57: {  	[sflag:s16] =	ssyncset.done $0x0  }
0x58: {  	s30 =	sadd.s32 $0x100, s29;
	[sflag:s16] =	ssyncadd.s32 $0xFFFFC000  }
0x59: {  	[tilespmem:s15], [sflag:$0x1] =	stream.indirect.gather [hbm4b:s12+s18], $0x80, s30, s18, $0xb8;
	[tilespmem:$0x1E000] =	vst v63  }
0x5a: {  	_ =	swait.ge [sflag:s21], $0x4000  }
.Ltmp1:
0x5b: {  	[sflag:s21] =	ssyncset.done $0x0;
	(pc) =	sbr.rel @p1 .LBB2_5-.Ltmp1, $4  }
0x5c: {  	s29 =	sadd.s32 $0x1080, s29;
	[sflag:s21] =	ssyncadd.s32 $0xFFFFC000  }
0x5d: {  	[spmem:s4] =	stream.indirect.scatter.add.f32 [tilespmem:s19], [sflag:$0x3], $0x80, s29, s18, $0xb8;
	[tilespmem:$0x1E000] =	vst v63  }
0x5e: {  	_ =	swait.ge [sflag:s16], $0x4000  }
0x5f: {  	s30 =	smov.u32 s2;
	s29 =	sshra.s32 s1, $0x2;
	[sflag:s16] =	ssyncset.done $0x0  }
0x60: {  	s1 =	sadd.s32 $0x80, s29;
	[sflag:s16] =	ssyncadd.s32 $0xFFFFC000  }
0x61: {  	[tilespmem:s19], [sflag:$0x2] =	stream.indirect.gather [hbm4b:s12+s18], $0x80, s1, s18, $0xb8;
	[tilespmem:$0x1E000] =	vst v63  }
0x62: {  	_ =	swait.ge [sflag:s20], $0x4000  }
0x63: {  	[sflag:s20] =	ssyncset.done $0x0  }
0x64: {  	s2 =	sadd.s32 $0x1000, s29;
	[sflag:s20] =	ssyncadd.s32 $0xFFFFC000  }
0x65: {  	[spmem:s4] =	stream.indirect.scatter.add.f32 [tilespmem:s15], [sflag:$0x3], $0x80, s2, s18, $0xb8;
	[tilespmem:$0x1E000] =	vst v63  }
0x66: {  	_ =	swait.ge [sflag:s16], $0x4000  }
0x67: {  	[sflag:s16] =	ssyncset.done $0x0  }
0x68: {  	s30 =	sadd.s32 $0x100, s29;
	[sflag:s16] =	ssyncadd.s32 $0xFFFFC000  }
0x69: {  	[tilespmem:s15], [sflag:$0x1] =	stream.indirect.gather [hbm4b:s12+s18], $0x80, s30, s18, $0xb8;
	[tilespmem:$0x1E000] =	vst v63  }
0x6a: {  	_ =	swait.ge [sflag:s21], $0x4000  }
0x6b: {  	[sflag:s21] =	ssyncset.done $0x0  }
0x6c: {  	s31 =	sadd.s32 $0x1080, s29;
	[sflag:s21] =	ssyncadd.s32 $0xFFFFC000  }
0x6d: {  	[spmem:s4] =	stream.indirect.scatter.add.f32 [tilespmem:s19], [sflag:$0x3], $0x80, s31, s18, $0xb8;
	[tilespmem:$0x1E000] =	vst v63  }
0x6e: {  	_ =	swait.ge [sflag:s16], $0x4000  }
0x6f: {  	[sflag:s16] =	ssyncset.done $0x0  }
0x70: {  	[sflag:s16] =	ssyncadd.s32 $0xFFFFC000  }
0x71: {  	[tilespmem:s19], [sflag:$0x2] =	stream.indirect.gather [hbm4b:s12+s18], $0x80, s22, s18, $0xb8;
	[tilespmem:$0x1E000] =	vst v63  }
0x72: {  	_ =	swait.ge [sflag:s20], $0x4000  }
0x73: {  	[sflag:s20] =	ssyncset.done $0x0  }
0x74: {  	[sflag:s20] =	ssyncadd.s32 $0xFFFFC000  }
0x75: {  	[spmem:s4] =	stream.indirect.scatter.add.f32 [tilespmem:s15], [sflag:$0x3], $0x80, s23, s18, $0xb8;
	[tilespmem:$0x1E000] =	vst v63  }
0x76: {  	_ =	swait.ge [sflag:s16], $0x4000  }
0x77: {  	[sflag:s16] =	ssyncset.done $0x0  }
0x78: {  	[sflag:s16] =	ssyncadd.s32 $0xFFFFC000  }
0x79: {  	p1 =	slt.u32 @!p0 s28, $0x3;
	_ =	swait.ge [sflag:s21], $0x4000  }
0x7a: {  	p1 =	por p0, !p1;
	[sflag:s21] =	ssyncset.done $0x0  }
.Ltmp2:
0x7b: {  	[sflag:s21] =	ssyncadd.s32 $0xFFFFC000;
	(pc) =	sbr.rel @!p1 .LBB2_4-.Ltmp2, $4  }
0x7c: {  	[spmem:s4] =	stream.indirect.scatter.add.f32 [tilespmem:s19], [sflag:$0x3], $0x80, s24, s18, $0xb8;
	[tilespmem:$0x1E000] =	vst v63  }
0x7d: {  	_ =	swait.ge [sflag:s16], $0x4000  }
0x7e: {  	[sflag:s16] =	ssyncset.done $0x0  }
0x7f: {  	s28 =	sadd.s32 $0x1, s28;
	[sflag:s16] =	ssyncadd.s32 $0xFFFFC000  }
0x80: {  	s1 =	stileid.u32;
	s25 =	sadd.s32 $0x1, s25  }
0x81: {  	[bflag:$0x0] =	sbarrier.arrive $0xFFFF;
	s1 =	sshll.u32 s1, $0x6;
	p1 =	sne.s32 s25, s14  }
.Ltmp3:
0x82: {  	s2 =	sshrl.u32 s6, $0x3;
	s1 =	sor.u32 $0x1C03, s1;
	(pc) =	sbr.rel @p1 .LBB2_1-.Ltmp3, $4  }
0x83: {  	[hbm:s13], [sflag:s1] =	dma.local [spmem:s2], $0x2800  }
0x84: {  	_ =	swait.ge [sflag:s16], $0x2800  }
0x85: {  	[sflag:s16] =	ssyncset.done $0x0  }
0x86: {  	[sflag:s16] =	ssyncadd.s32 $0xFFFFD800  }
0x87: {  	_ =	sfence.sel $0x180000  }
0x88: {  	[bflag:$0x0] =	sbarrier.arrive $0xFFFF  }
0x89: {  	_ =	strace $0x9000004A  }
0x8a: {  	s0 =	stileid.u32;
	[bflag:$0x2] =	sbarrier.arrive $0xFFFF  }
0x8b: {  	p0 =	sne.s32 s0, $0x0;
	s0 =	rddreg [dreg:$0x4]  }
0x8c: {  	s0 =	sadd.s32 @!p0 $0x100000, s0  }
0x8d: {  	[sflag:s0] =	ssyncadd.tile.s32 @!p0 $0x1;
	_ =	shalt  }
.Lfunc_end2:
_tile_overlayer_lowered:
.L_overlay_start_2:
0x8e: {  	(tag) =	ssettag $0x2  }
0x8f: {  	s0 =	rddreg [dreg:$0x0];
	s2 =	stileid.u32  }
0x90: {  	s1 =	rddreg [dreg:$0x1];
	p0 =	sne.s32 s2, $0x0  }
0x91: {  	s3 =	rddreg [dreg:$0x2];
	[bflag:$0x3] =	sbarrier.arrive $0xFFFF;
	s2 =	simm.s32 @!p0 $0x1C03  }
0x92: {  	[timem:s3], [sflag:s2] =	dma.local @!p0 [hbm:s0], s1  }
0x93: {  	s0 =	simm.s32 @!p0 $0x3  }
0x94: {  	_ =	swait.ge @!p0 [sflag:s0], s1  }
0x95: {  	s1 =	ssub.s32 @!p0 $0x0, s1;
	[sflag:s0] =	ssyncset.done @!p0 $0x0  }
0x96: {  	[sflag:s0] =	ssyncadd.s32 @!p0 s1  }
0x97: {  	[bflag:$0x3] =	sbarrier.arrive $0xFFFF  }
0x98: {  	_ =	shalt  }

// kernel: kernel.15.cloned.1.call-start
scs
__scs_entry_jumppad:
0x0: {  	(pc) =	sbr.rel $0x88, $3  }
0x1: {  	(tag) =	ssettag $0x0;
	lr =	simm.s32 $0x1  }
0x2: {  	[smem:$0x3F99] =	sst lr;
	_ =	strace $0xD0000000  }
0x3: {  	_ = 	snop  }
0x4: {  	_ = 	snop  }
0x5: {  	_ = 	snop  }
0x6: {  	_ = 	snop  }
0x7: {  	_ = 	snop  }
__scs_overlays_trampoline_lowered:
0x8: {  	[smem:$0x3FA8] =	sst s0  }
0x9: {  	[smem:$0x3FA9] =	sst s1  }
0xa: {  	[smem:$0x3FAA] =	sst s2  }
0xb: {  	[smem:$0x3FAB] =	sst s3  }
0xc: {  	[smem:$0x3FAC] =	sst s4  }
0xd: {  	[smem:$0x3FAD] =	sst s5  }
0xe: {  	[smem:$0x3FAE] =	sst s6  }
0xf: {  	[smem:$0x3FAF] =	sst s7  }
0x10: {  	[smem:$0x3FB0] =	sst s8  }
0x11: {  	[smem:$0x3FB1] =	sst s9;
	s0 =	simm.s32 @!p0 $0x0  }
0x12: {  	s1 =	sld [smem:$0x3F97];
	s0 =	simm.s32 @p0 $0x1  }
0x13: {  	[smem:$0x3FB2] =	sst s0;
	s0 =	simm.s32 @!p1 $0x0  }
0x14: {  	s2 =	sld [smem:$0x3F96];
	s0 =	simm.s32 @p1 $0x1  }
0x15: {  	[smem:$0x3FB3] =	sst s0;
	s0 =	simm.s32 @!p2 $0x0  }
0x16: {  	s3 =	sld [smem:$0x3FDB];
	s0 =	simm.s32 @p2 $0x1  }
0x17: {  	s4 =	simm.s32 $0x1BF5;
	[smem:$0x3FB5] =	sst s0  }
0x18: {  	s0 =	sld [smem:$0x3F98];
	_ =	swait.ge [sflag:s4], $0x0  }
0x19: {  	s7 =	sld [smem:$0x3F99]  }
0x1a: {  	s8 =	sadd.s32 $0xFFFFE003, lr  }
0x1b: {  	s9 =	sadd.s32 $0xFFFFFEF7, lr;
	s5 =	simm.s32 $0xFFFFFFFF;
	p2 =	slt.u32 s8, $0xFFFFF086  }
0x1c: {  	p1 =	slt.u32 s9, $0xF7A;
	s5 =	simm.s32 @!p2 $0x0  }
0x1d: {  	s5 =	simm.s32 @p1 $0x1;
	p0 =	seq.s32 s7, s2  }
0x1e: {  	s7 =	smul.u32 @!p0 $0xF7A, s2;
	p2 =	seq.s32 @!p0 s5, $0x0  }
0x1f: {  	s9 =	smul.u32 $0xF7A, s1;
	s8 =	simm.s32 @!p0 $0x1BF5;
	p2 =	por !p2, p0  }
0x20: {  	[sflag:s8] =	ssyncset.s32 @!p0 $0xFFFFF086;
	s6 =	sadd.s32 @!p0 s3, s7;
	s7 =	simm.s32 @!p0 $0x108  }
0x21: {  	s3 =	sadd.s32 s3, s9;
	s6 =	sadd.s32 @!p0 $0x88, s6;
	s7 =	simm.s32 @p2 $0x1082  }
0x22: {  	[simem:s7], [sflag:s8] =	dma.local @!p0 [hbm:s6], $0xF7A  }
0x23: {  	s9 =	sor.u32 $0xD0000000, s2;
	s6 =	simm.s32 $0x108;
	_ =	swait.ge @!p0 [sflag:s8], $0x0  }
0x24: {  	s3 =	sadd.s32 $0x88, s3;
	s6 =	simm.s32 @!p1 $0x1082;
	[sflag:s4] =	ssyncset.s32 $0xFFFFF086  }
0x25: {  	[simem:s6], [sflag:s4] =	dma.local [hbm:s3], $0xF7A  }
0x26: {  	[smem:$0x3F99] =	sst s1;
	(tag) =	ssettag s2;
	_ =	strace s9  }
0x27: {  	s1 =	sld [smem:$0x3FA9]  }
0x28: {  	s2 =	sld [smem:$0x3FAA]  }
0x29: {  	s4 =	sld [smem:$0x3FAC]  }
0x2a: {  	p0 =	seq.s32 s5, $0x0;
	s5 =	sld [smem:$0x3FAD]  }
0x2b: {  	s6 =	sld [smem:$0x3FAE]  }
0x2c: {  	s7 =	sld [smem:$0x3FAF]  }
0x2d: {  	s3 =	simm.s32 $0x108;
	s8 =	sld [smem:$0x3FB0]  }
0x2e: {  	s3 =	simm.s32 @!p0 $0x1082;
	s9 =	sld [smem:$0x3FB1]  }
0x2f: {  	lr =	sadd.s32 s0, s3;
	s0 =	sld [smem:$0x3FA8]  }
0x30: {  	s3 =	sld [smem:$0x3FAB]  }
0x31: {  	[smem:$0x3FB4] =	sst s10  }
0x32: {  	s10 =	sld [smem:$0x3FB2];
	_ =	sdelay $0x3  }
0x33: {  	p0 =	seq.s32 s10, $0x1;
	s10 =	sld [smem:$0x3FB4];
	_ =	sdelay $0x3  }
0x34: {  	[smem:$0x3FB4] =	sst s10  }
0x35: {  	s10 =	sld [smem:$0x3FB3];
	_ =	sdelay $0x3  }
0x36: {  	p1 =	seq.s32 s10, $0x1;
	s10 =	sld [smem:$0x3FB4];
	_ =	sdelay $0x3  }
0x37: {  	[smem:$0x3FB4] =	sst s10  }
0x38: {  	s10 =	sld [smem:$0x3FB5]  }
0x39: {  	_ = 	snop;
	(pc) =	sbr.ind lr, $3  }
0x3a: {  	_ = 	snop  }
0x3b: {  	_ = 	snop  }
0x3c: {  	p2 =	seq.s32 s10, $0x1;
	s10 =	sld [smem:$0x3FB4]  }
0x3d: {  	_ =	shalt  }
0x3e: {  	_ =	shalt  }
0x3f: {  	_ =	shalt  }
0x40: {  	_ =	shalt  }
0x41: {  	_ =	shalt  }
0x42: {  	_ =	shalt  }
0x43: {  	_ =	shalt  }
0x44: {  	_ =	shalt  }
0x45: {  	_ =	shalt  }
0x46: {  	_ =	shalt  }
0x47: {  	_ =	shalt  }
0x48: {  	_ =	shalt  }
0x49: {  	_ =	shalt  }
0x4a: {  	_ =	shalt  }
0x4b: {  	_ =	shalt  }
0x4c: {  	_ =	shalt  }
0x4d: {  	_ =	shalt  }
0x4e: {  	_ =	shalt  }
0x4f: {  	_ =	shalt  }
0x50: {  	_ =	shalt  }
0x51: {  	_ =	shalt  }
0x52: {  	_ =	shalt  }
0x53: {  	_ =	shalt  }
0x54: {  	_ =	shalt  }
0x55: {  	_ =	shalt  }
0x56: {  	_ =	shalt  }
0x57: {  	_ =	shalt  }
0x58: {  	_ =	shalt  }
0x59: {  	_ =	shalt  }
0x5a: {  	_ =	shalt  }
0x5b: {  	_ =	shalt  }
0x5c: {  	_ =	shalt  }
0x5d: {  	_ =	shalt  }
0x5e: {  	_ =	shalt  }
0x5f: {  	_ =	shalt  }
0x60: {  	_ =	shalt  }
0x61: {  	_ =	shalt  }
0x62: {  	_ =	shalt  }
0x63: {  	_ =	shalt  }
0x64: {  	_ =	shalt  }
0x65: {  	_ =	shalt  }
0x66: {  	_ =	shalt  }
0x67: {  	_ =	shalt  }
0x68: {  	_ =	shalt  }
0x69: {  	_ =	shalt  }
0x6a: {  	_ =	shalt  }
0x6b: {  	_ =	shalt  }
0x6c: {  	_ =	shalt  }
0x6d: {  	_ =	shalt  }
0x6e: {  	_ =	shalt  }
0x6f: {  	_ =	shalt  }
0x70: {  	_ =	shalt  }
0x71: {  	_ =	shalt  }
0x72: {  	_ =	shalt  }
0x73: {  	_ =	shalt  }
0x74: {  	_ =	shalt  }
0x75: {  	_ =	shalt  }
0x76: {  	_ =	shalt  }
0x77: {  	_ =	shalt  }
0x78: {  	_ =	shalt  }
0x79: {  	_ =	shalt  }
0x7a: {  	_ =	shalt  }
0x7b: {  	_ =	shalt  }
0x7c: {  	_ =	shalt  }
0x7d: {  	_ =	shalt  }
0x7e: {  	_ =	shalt  }
0x7f: {  	_ =	shalt  }
0x80: {  	_ =	shalt  }
0x81: {  	_ =	shalt  }
0x82: {  	_ =	shalt  }
0x83: {  	_ =	shalt  }
0x84: {  	_ =	shalt  }
0x85: {  	_ =	shalt  }
0x86: {  	_ =	shalt  }
0x87: {  	_ =	shalt  }
.Lfunc_end0:
.L_simem_size_0:
called_computation.2_lowered:
.L_overlay_start_0:
0x88: {  	s2 =	sld [smem:$0x3FD9]  }
0x89: {  	s3 =	sld [smem:$0x3FFE];
	_ =	sdelay $0x1  }
0x8a: {  	s1 =	srdreg.scid  }
0x8b: {  	s0 =	sand.u32 $0x1, s1  }
0x8c: {  	s14 =	sshll.u32 s0, $0xA;
	s2 =	sadd.s32 s3, s2  }
0x8d: {  	s2 =	sadd.s32 s2, s14  }
0x8e: {  	[smem:$0x3FC0] =	sst s2  }
0x8f: {  	_ = 	snop  }
0x90: {  	s2 =	sld [smem:$0x3FD0];
	_ =	sdelay $0x2  }
0x91: {  	s15 =	simm.s32 $0xA;
	s4 =	simm.s32 $0x10  }
0x92: {  	[smem:s4], [sflag:s15] =	dma.local [hbm:s2], $0x1  }
0x93: {  	_ =	swait.eq [sflag:s15], $0x1  }
0x94: {  	[sflag:s15] =	ssyncset.done $0x0  }
0x95: {  	s16 =	sld [smem:$0x10];
	[sflag:s15] =	ssyncadd.s32 $0xFFFFFFFF  }
0x96: {  	s17 =	sld [smem:$0x11];
	(tm) =	ssettm $0x1  }
0x97: {  	s18 =	sld [smem:$0x3FFB];
	_ =	sdelay $0x3  }
0x98: {  	_ =	strace s18  }
0x99: {  	s4 =	sld [smem:$0x3FFC];
	_ =	sdelay $0x3  }
0x9a: {  	_ =	strace s4  }
0x9b: {  	s4 =	sld [smem:$0x3FFD];
	_ =	sdelay $0x3  }
0x9c: {  	_ =	strace s4  }
0x9d: {  	_ =	strace $0x8FFFFFFF  }
0x9e: {  	s19 =	sld [smem:$0x3FDB];
	_ =	sdelay $0x1  }
0x9f: {  	s5 =	simm.s32 $_scs_section_size  }
0xa0: {  	s6 =	simm.s32 $_size__tile_overlayer_lowered;
	s7 =	simm.s32 $_tile_overlayer_lowered  }
0xa1: {  	s22 =	simm.s32 $0x1BFF;
	s21 =	sshll.u32 s7, $0x1;
	s4 =	sadd.s32 s5, s19  }
0xa2: {  	s8 =	simm.s32 $0x0;
	s20 =	sshll.u32 s6, $0x1;
	s6 =	sadd.s32 s21, s4  }
0xa3: {  	[timem:s8], [sflag:s22] =	dma.local [hbm:s6], s20  }
0xa4: {  	_ =	swait.ge [sflag:s22], s20  }
0xa5: {  	s5 =	ssub.s32 $0x0, s20;
	[sflag:s22] =	ssyncset.done $0x0  }
0xa6: {  	[sflag:s22] =	ssyncadd.s32 s5;
	_ =	sdelay $0x1  }
0xa7: {  	s23 =	simm.s32 $0x1B8B  }
0xa8: {  	_ =	swait.ge [sflag:s23], $0x1  }
0xa9: {  	[sflag:s23] =	ssyncset.done $0x0  }
0xaa: {  	s25 =	simm.s32 $0x1B8E;
	s24 =	sld [smem:$0x3FFE];
	[sflag:s23] =	ssyncadd.s32 $0xFFFFFFFF  }
0xab: {  	s26 =	simm.s32 $execute0_lowered;
	[smem:$0x3FD2] =	sst s25  }
0xac: {  	s6 =	sshll.u32 s26, $0x1;
	_ =	strace $0x8000004C;
	[dreg:$0x1] =	wrdreg $0xFFFFFFFF  }
0xad: {  	s28 =	simm.s32 $_size_execute0_lowered;
	s4 =	sadd.s32 s4, s6;
	[dreg:$0x0] =	wrdreg $0x0  }
0xae: {  	s6 =	sshll.u32 s28, $0x1;
	[dreg:$0x2] =	wrdreg s4  }
0xaf: {  	[dreg:$0x3] =	wrdreg s6  }
0xb0: {  	[dreg:$0x4] =	wrdreg $0xC0  }
0xb1: {  	_ =	task [dreg:s8], $0x5FFFF  }
0xb2: {  	[dreg:$0x1] =	wrdreg $0xFFFFFFFF  }
0xb3: {  	[dreg:$0x0] =	wrdreg $0x60  }
0xb4: {  	[dreg:$0x2] =	wrdreg s24  }
0xb5: {  	[dreg:$0x3] =	wrdreg s16  }
0xb6: {  	[dreg:$0x4] =	wrdreg s17  }
0xb7: {  	[dreg:$0x5] =	wrdreg $0xA0000  }
0xb8: {  	[dreg:$0x6] =	wrdreg $0x9  }
0xb9: {  	_ =	task.clear_ibuf [dreg:s8], $0x7FFFF;
	_ =	strace $0x9000004C  }
0xba: {  	s29 =	simm.s32 $0x9;
	_ =	strace $0x8000004E  }
0xbb: {  	_ =	swait.ge [sflag:s29], $0x1  }
0xbc: {  	[sflag:s29] =	ssyncadd.s32 $0xFFFFFFFF  }
0xbd: {  	_ =	strace $0x9000004E  }
0xbe: {  	_ =	sfence  }
0xbf: {  	s30 =	sld [smem:$0x0];
	_ =	sdelay $0x2  }
0xc0: {  	s31 =	sshll.u32 s1, $0xD;
	s1 =	sshrl.u32 s1, $0x2  }
0xc1: {  	s3 =	sand.u32 $0x4000, s31;
	s1 =	sadd.s32 s1, s30  }
0xc2: {  	s0 =	sor.u32 s3, s0;
	s1 =	sshll.u32 s1, $0x11  }
0xc3: {  	s0 =	sor.u32 s1, s0  }
0xc4: {  	s0 =	sadd.s32 $0x8F2B, s0  }
0xc5: {  	[sflag:s0] =	ssyncadd.remote.s32 $0x1  }
0xc6: {  	_ =	sfence.sel $0xFFFF  }
0xc7: {  	[dreg:$0x0] =	wrdreg $0xFFFFFFFF;
	(pc) =	sbr.abs _section_cstart, $3  }
0xc8: {  	[dreg:$0x1] =	wrdreg $0xFFFFFFFF  }
0xc9: {  	_ =	task.clear_ibuf [dreg:s8], $0x2FFFF;
	_ =	strace $0x9FFFFFFF  }
0xca: {  	(tm) =	ssettm $0x7FFFFFFF  }
0xcb: {  	_ =	shalt  }
tec
execute0_lowered:
.L_overlay_start_1:
0x0: {  	(tag) =	ssettag $0x1  }
0x1: {  	s6 =	rddreg [dreg:$0x0]  }
0x2: {  	s0 =	rddreg [dreg:$0x1]  }
0x3: {  	s3 =	rddreg [dreg:$0x2];
	s1 =	srdreg.scid  }
0x4: {  	s4 =	rddreg [dreg:$0x3];
	s26 =	stileid.u32  }
0x5: {  	s5 =	simm.s32 $0x0;
	s16 =	simm.s32 $0x3;
	s17 =	simm.s32 $0x1000  }
0x6: {  	s18 =	simm.s32 $0x80;
	s19 =	simm.s32 $0x6000;
	s8 =	smul.u32 $0x14000, s26  }
0x7: {  	s20 =	simm.s32 $0x1;
	s21 =	simm.s32 $0x2;
	s28 =	smul.u32 $0x50000, s26  }
0x8: {  	s23 =	simm.s32 $0x1F00;
	s22 =	sand.u32 $0x1, s1;
	s11 =	smul.u32 $0x5000, s26  }
0x9: {  	s24 =	simm.s32 $0x1F80;
	[smem:$0x7FF] =	sst s5;
	s7 =	smul.u32 $0x140000, s22  }
0xa: {  	s25 =	simm.s32 $0x0;
	s9 =	smul.u32 $0x27100, s22;
	_ =	strace $0x8000004D  }
0xb: {  	s29 =	ssub.s32 $0x2, s22;
	s15 =	sshll.u32 s22, $0xE;
	p0 =	sne.s32 s22, $0x0  }
0xc: {  	s22 =	simm.s32 $0xF80;
	s30 =	sshrl.u32 s29, $0x1;
	s31 =	sshrl.u32 s28, $0x2  }
0xd: {  	s11 =	sadd.s32 s11, s15;
	s15 =	simm.s32 $0x2000;
	s7 =	sadd.s32 s8, s7  }
0xe: {  	s12 =	sadd.s32 s9, s6;
	s14 =	ssub.s32 s29, s30;
	s7 =	sshrl.u32 s7, $0x3  }
0xf: {  	s12 =	sadd.s32 $0x2200, s12;
	s13 =	sadd.s32 s7, s6;
	s6 =	sadd.s32 s31, s4  }
0x10: {  	s14 =	smax.u32 s14, $0x1;
	s7 =	sadd.s32 $0x4000, s6;
	s8 =	sadd.s32 $0x8000, s6  }
0x11: {  	v0 =	vimm.f32 $0.0e+00;
	s9 =	sadd.s32 $0xC000, s6;
	s10 =	sadd.s32 $0x10000, s6;
	s13 =	sadd.s32 $0x50400, s13  }
.LBB2_1:
0x12: {  	s26 =	sand.u32 $0xFE00, s5  }
0x13: {  	s28 =	sand.u32 $0x70, s5;
	s29 =	sshrl.u32 s26, $0x2  }
0x14: {  	s26 =	simm.s32 $0x40;
	s29 =	sor.u32 s28, s29;
	s28 =	simm.s32 $0x0  }
.LBB2_2:
0x15: {  	p1 =	sne.s32 s26, $0xFFC0  }
0x16: {  	[tilespmem:s29+$0x2000] =	vst v0;
	s28 =	sadd.s32 $0x10, s28;
	s29 =	smov.u32 s26;
	s26 =	sadd.s32 $0x40, s26  }
.Ltmp0:
0x17: {  	(pc) =	sbr.rel @p1 .LBB2_2-.Ltmp0, $4  }
0x18: {  	_ = 	snop  }
0x19: {  	s29 =	sand.u32 $0xFE00, s29  }
0x1a: {  	s30 =	sand.u32 $0x70, s28;
	s29 =	sshrl.u32 s29, $0x2  }
0x1b: {  	s29 =	sor.u32 s30, s29  }
0x1c: {  	[tilespmem:s29+$0x2000] =	vst v0  }
0x1d: {  	[spmem:s6] =	stream.linear.scatter [tilespmem:s15], [sflag:$0x3], $0x4000, $0x38;
	[tilespmem:$0x1E000] =	vst v63  }
0x1e: {  	_ =	swait.ge [sflag:s16], $0x4000  }
0x1f: {  	[sflag:s16] =	ssyncset.done $0x0  }
0x20: {  	[sflag:s16] =	ssyncadd.s32 $0xFFFFC000  }
0x21: {  	[spmem:s7] =	stream.linear.scatter [tilespmem:s15], [sflag:$0x3], $0x4000, $0x38;
	[tilespmem:$0x1E000] =	vst v63  }
0x22: {  	_ =	swait.ge [sflag:s16], $0x4000  }
0x23: {  	[sflag:s16] =	ssyncset.done $0x0  }
0x24: {  	[sflag:s16] =	ssyncadd.s32 $0xFFFFC000  }
0x25: {  	[spmem:s8] =	stream.linear.scatter [tilespmem:s15], [sflag:$0x3], $0x4000, $0x38;
	[tilespmem:$0x1E000] =	vst v63  }
0x26: {  	_ =	swait.ge [sflag:s16], $0x4000  }
0x27: {  	[sflag:s16] =	ssyncset.done $0x0  }
0x28: {  	[sflag:s16] =	ssyncadd.s32 $0xFFFFC000  }
0x29: {  	[spmem:s9] =	stream.linear.scatter [tilespmem:s15], [sflag:$0x3], $0x4000, $0x38;
	[tilespmem:$0x1E000] =	vst v63  }
0x2a: {  	_ =	swait.ge [sflag:s16], $0x4000  }
0x2b: {  	[sflag:s16] =	ssyncset.done $0x0  }
0x2c: {  	[sflag:s16] =	ssyncadd.s32 $0xFFFFC000  }
0x2d: {  	[spmem:s10] =	stream.linear.scatter [tilespmem:s15], [sflag:$0x3], $0x4000, $0x38;
	[tilespmem:$0x1E000] =	vst v63  }
0x2e: {  	_ =	swait.ge [sflag:s16], $0x4000  }
0x2f: {  	[sflag:s16] =	ssyncset.done $0x0  }
0x30: {  	[sflag:s16] =	ssyncadd.s32 $0xFFFFC000  }
0x31: {  	s26 =	simm.s32 $0x0;
	s28 =	simm.s32 $0x0;
	[bflag:$0x0] =	sbarrier.arrive $0xFFFF  }
.LBB2_4:
0x32: {  	s29 =	sshll.u32 s28, $0xC  }
0x33: {  	s29 =	sadd.s32 s29, s11  }
0x34: {  	s29 =	sshrl.u32 s29, $0x3  }
0x35: {  	s30 =	sadd.s32 s0, s29  }
0x36: {  	[tilespmem:s26], [sflag:$0x3] =	stream.linear.gather [hbm4b:s30+s26], $0x1000, $0x38;
	[tilespmem:$0x1E000] =	vst v63  }
0x37: {  	_ =	swait.ge [sflag:s16], $0x1000  }
0x38: {  	[sflag:s16] =	ssyncset.done $0x0  }
0x39: {  	s29 =	sadd.s32 s3, s29;
	[sflag:s16] =	ssyncadd.s32 $0xFFFFF000  }
0x3a: {  	[tilespmem:s17], [sflag:$0x3] =	stream.linear.gather [hbm4b:s29+s26], $0x1000, $0x38;
	[tilespmem:$0x1E000] =	vst v63  }
0x3b: {  	_ =	swait.ge [sflag:s16], $0x1000  }
0x3c: {  	[sflag:s16] =	ssyncset.done $0x0  }
0x3d: {  	[sflag:s16] =	ssyncadd.s32 $0xFFFFF000  }
0x3e: {  	[tilespmem:s15], [sflag:$0x1] =	stream.indirect.gather [hbm4b:s12+s18], $0x80, s26, s18, $0xb8;
	[tilespmem:$0x1E000] =	vst v63  }
0x3f: {  	s29 =	simm.s32 $0x80  }
0x40: {  	[tilespmem:s19], [sflag:$0x2] =	stream.indirect.gather [hbm4b:s12+s18], $0x80, s29, s18, $0xb8;
	[tilespmem:$0x1E000] =	vst v63  }
0x41: {  	_ =	swait.ge [sflag:s20], $0x4000  }
0x42: {  	[sflag:s20] =	ssyncset.done $0x0  }
0x43: {  	s29 =	simm.s32 $0x1000;
	[sflag:s20] =	ssyncadd.s32 $0xFFFFC000  }
0x44: {  	[spmem:s4] =	stream.indirect.scatter.add.f32 [tilespmem:s15], [sflag:$0x3], $0x80, s29, s18, $0xb8;
	[tilespmem:$0x1E000] =	vst v63  }
0x45: {  	_ =	swait.ge [sflag:s16], $0x4000  }
0x46: {  	[sflag:s16] =	ssyncset.done $0x0  }
0x47: {  	s29 =	simm.s32 $0x100;
	[sflag:s16] =	ssyncadd.s32 $0xFFFFC000  }
0x48: {  	[tilespmem:s15], [sflag:$0x1] =	stream.indirect.gather [hbm4b:s12+s18], $0x80, s29, s18, $0xb8;
	[tilespmem:$0x1E000] =	vst v63  }
0x49: {  	_ =	swait.ge [sflag:s21], $0x4000  }
0x4a: {  	[sflag:s21] =	ssyncset.done $0x0  }
0x4b: {  	s29 =	simm.s32 $0x1080;
	[sflag:s21] =	ssyncadd.s32 $0xFFFFC000  }
0x4c: {  	[spmem:s4] =	stream.indirect.scatter.add.f32 [tilespmem:s19], [sflag:$0x3], $0x80, s29, s18, $0xb8;
	[tilespmem:$0x1E000] =	vst v63  }
0x4d: {  	_ =	swait.ge [sflag:s16], $0x4000  }
0x4e: {  	s30 =	simm.s32 $0x800;
	s29 =	simm.s32 $0x100;
	[sflag:s16] =	ssyncset.done $0x0  }
.LBB2_5:
0x4f: {  	s31 =	sadd.s32 $0x80, s29  }
0x50: {  	[sflag:s16] =	ssyncadd.s32 $0xFFFFC000;
	s1 =	smov.u32 s30;
	s2 =	sadd.s32 $0x400, s30  }
0x51: {  	[tilespmem:s19], [sflag:$0x2] =	stream.indirect.gather [hbm4b:s12+s18], $0x80, s31, s18, $0xb8;
	[tilespmem:$0x1E000] =	vst v63  }
0x52: {  	p1 =	sne.s32 s30, $0x3800;
	_ =	swait.ge [sflag:s20], $0x4000  }
0x53: {  	[sflag:s20] =	ssyncset.done $0x0  }
0x54: {  	s30 =	sadd.s32 $0x1000, s29;
	[sflag:s20] =	ssyncadd.s32 $0xFFFFC000  }
0x55: {  	[spmem:s4] =	stream.indirect.scatter.add.f32 [tilespmem:s15], [sflag:$0x3], $0x80, s30, s18, $0xb8;
	[tilespmem:$0x1E000] =	vst v63  }
0x56: {  	_ =	swait.ge [sflag:s16], $0x4000  }
0x57: {  	[sflag:s16] =	ssyncset.done $0x0  }
0x58: {  	s30 =	sadd.s32 $0x100, s29;
	[sflag:s16] =	ssyncadd.s32 $0xFFFFC000  }
0x59: {  	[tilespmem:s15], [sflag:$0x1] =	stream.indirect.gather [hbm4b:s12+s18], $0x80, s30, s18, $0xb8;
	[tilespmem:$0x1E000] =	vst v63  }
0x5a: {  	_ =	swait.ge [sflag:s21], $0x4000  }
.Ltmp1:
0x5b: {  	[sflag:s21] =	ssyncset.done $0x0;
	(pc) =	sbr.rel @p1 .LBB2_5-.Ltmp1, $4  }
0x5c: {  	s29 =	sadd.s32 $0x1080, s29;
	[sflag:s21] =	ssyncadd.s32 $0xFFFFC000  }
0x5d: {  	[spmem:s4] =	stream.indirect.scatter.add.f32 [tilespmem:s19], [sflag:$0x3], $0x80, s29, s18, $0xb8;
	[tilespmem:$0x1E000] =	vst v63  }
0x5e: {  	_ =	swait.ge [sflag:s16], $0x4000  }
0x5f: {  	s30 =	smov.u32 s2;
	s29 =	sshra.s32 s1, $0x2;
	[sflag:s16] =	ssyncset.done $0x0  }
0x60: {  	s1 =	sadd.s32 $0x80, s29;
	[sflag:s16] =	ssyncadd.s32 $0xFFFFC000  }
0x61: {  	[tilespmem:s19], [sflag:$0x2] =	stream.indirect.gather [hbm4b:s12+s18], $0x80, s1, s18, $0xb8;
	[tilespmem:$0x1E000] =	vst v63  }
0x62: {  	_ =	swait.ge [sflag:s20], $0x4000  }
0x63: {  	[sflag:s20] =	ssyncset.done $0x0  }
0x64: {  	s2 =	sadd.s32 $0x1000, s29;
	[sflag:s20] =	ssyncadd.s32 $0xFFFFC000  }
0x65: {  	[spmem:s4] =	stream.indirect.scatter.add.f32 [tilespmem:s15], [sflag:$0x3], $0x80, s2, s18, $0xb8;
	[tilespmem:$0x1E000] =	vst v63  }
0x66: {  	_ =	swait.ge [sflag:s16], $0x4000  }
0x67: {  	[sflag:s16] =	ssyncset.done $0x0  }
0x68: {  	s30 =	sadd.s32 $0x100, s29;
	[sflag:s16] =	ssyncadd.s32 $0xFFFFC000  }
0x69: {  	[tilespmem:s15], [sflag:$0x1] =	stream.indirect.gather [hbm4b:s12+s18], $0x80, s30, s18, $0xb8;
	[tilespmem:$0x1E000] =	vst v63  }
0x6a: {  	_ =	swait.ge [sflag:s21], $0x4000  }
0x6b: {  	[sflag:s21] =	ssyncset.done $0x0  }
0x6c: {  	s31 =	sadd.s32 $0x1080, s29;
	[sflag:s21] =	ssyncadd.s32 $0xFFFFC000  }
0x6d: {  	[spmem:s4] =	stream.indirect.scatter.add.f32 [tilespmem:s19], [sflag:$0x3], $0x80, s31, s18, $0xb8;
	[tilespmem:$0x1E000] =	vst v63  }
0x6e: {  	_ =	swait.ge [sflag:s16], $0x4000  }
0x6f: {  	[sflag:s16] =	ssyncset.done $0x0  }
0x70: {  	[sflag:s16] =	ssyncadd.s32 $0xFFFFC000  }
0x71: {  	[tilespmem:s19], [sflag:$0x2] =	stream.indirect.gather [hbm4b:s12+s18], $0x80, s22, s18, $0xb8;
	[tilespmem:$0x1E000] =	vst v63  }
0x72: {  	_ =	swait.ge [sflag:s20], $0x4000  }
0x73: {  	[sflag:s20] =	ssyncset.done $0x0  }
0x74: {  	[sflag:s20] =	ssyncadd.s32 $0xFFFFC000  }
0x75: {  	[spmem:s4] =	stream.indirect.scatter.add.f32 [tilespmem:s15], [sflag:$0x3], $0x80, s23, s18, $0xb8;
	[tilespmem:$0x1E000] =	vst v63  }
0x76: {  	_ =	swait.ge [sflag:s16], $0x4000  }
0x77: {  	[sflag:s16] =	ssyncset.done $0x0  }
0x78: {  	[sflag:s16] =	ssyncadd.s32 $0xFFFFC000  }
0x79: {  	p1 =	slt.u32 @!p0 s28, $0x3;
	_ =	swait.ge [sflag:s21], $0x4000  }
0x7a: {  	p1 =	por p0, !p1;
	[sflag:s21] =	ssyncset.done $0x0  }
.Ltmp2:
0x7b: {  	[sflag:s21] =	ssyncadd.s32 $0xFFFFC000;
	(pc) =	sbr.rel @!p1 .LBB2_4-.Ltmp2, $4  }
0x7c: {  	[spmem:s4] =	stream.indirect.scatter.add.f32 [tilespmem:s19], [sflag:$0x3], $0x80, s24, s18, $0xb8;
	[tilespmem:$0x1E000] =	vst v63  }
0x7d: {  	_ =	swait.ge [sflag:s16], $0x4000  }
0x7e: {  	[sflag:s16] =	ssyncset.done $0x0  }
0x7f: {  	s28 =	sadd.s32 $0x1, s28;
	[sflag:s16] =	ssyncadd.s32 $0xFFFFC000  }
0x80: {  	s1 =	stileid.u32;
	s25 =	sadd.s32 $0x1, s25  }
0x81: {  	[bflag:$0x0] =	sbarrier.arrive $0xFFFF;
	s1 =	sshll.u32 s1, $0x6;
	p1 =	sne.s32 s25, s14  }
.Ltmp3:
0x82: {  	s2 =	sshrl.u32 s6, $0x3;
	s1 =	sor.u32 $0x1C03, s1;
	(pc) =	sbr.rel @p1 .LBB2_1-.Ltmp3, $4  }
0x83: {  	[hbm:s13], [sflag:s1] =	dma.local [spmem:s2], $0x2800  }
0x84: {  	_ =	swait.ge [sflag:s16], $0x2800  }
0x85: {  	[sflag:s16] =	ssyncset.done $0x0  }
0x86: {  	[sflag:s16] =	ssyncadd.s32 $0xFFFFD800  }
0x87: {  	_ =	sfence.sel $0x180000  }
0x88: {  	[bflag:$0x0] =	sbarrier.arrive $0xFFFF  }
0x89: {  	_ =	strace $0x9000004D  }
0x8a: {  	s0 =	stileid.u32;
	[bflag:$0x2] =	sbarrier.arrive $0xFFFF  }
0x8b: {  	p0 =	sne.s32 s0, $0x0;
	s0 =	rddreg [dreg:$0x4]  }
0x8c: {  	s0 =	sadd.s32 @!p0 $0x100000, s0  }
0x8d: {  	[sflag:s0] =	ssyncadd.tile.s32 @!p0 $0x1;
	_ =	shalt  }
.Lfunc_end2:
_tile_overlayer_lowered:
.L_overlay_start_2:
0x8e: {  	(tag) =	ssettag $0x2  }
0x8f: {  	s0 =	rddreg [dreg:$0x0];
	s2 =	stileid.u32  }
0x90: {  	s1 =	rddreg [dreg:$0x1];
	p0 =	sne.s32 s2, $0x0  }
0x91: {  	s3 =	rddreg [dreg:$0x2];
	[bflag:$0x3] =	sbarrier.arrive $0xFFFF;
	s2 =	simm.s32 @!p0 $0x1C03  }
0x92: {  	[timem:s3], [sflag:s2] =	dma.local @!p0 [hbm:s0], s1  }
0x93: {  	s0 =	simm.s32 @!p0 $0x3  }
0x94: {  	_ =	swait.ge @!p0 [sflag:s0], s1  }
0x95: {  	s1 =	ssub.s32 @!p0 $0x0, s1;
	[sflag:s0] =	ssyncset.done @!p0 $0x0  }
0x96: {  	[sflag:s0] =	ssyncadd.s32 @!p0 s1  }
0x97: {  	[bflag:$0x3] =	sbarrier.arrive $0xFFFF  }
0x98: {  	_ =	shalt  }

// kernel: kernel.9.cloned.1.call-start
scs
__scs_entry_jumppad:
0x0: {  	(pc) =	sbr.rel $0x88, $3  }
0x1: {  	(tag) =	ssettag $0x0;
	lr =	simm.s32 $0x1  }
0x2: {  	[smem:$0x3F99] =	sst lr;
	_ =	strace $0xD0000000  }
0x3: {  	_ = 	snop  }
0x4: {  	_ = 	snop  }
0x5: {  	_ = 	snop  }
0x6: {  	_ = 	snop  }
0x7: {  	_ = 	snop  }
__scs_overlays_trampoline_lowered:
0x8: {  	[smem:$0x3FA8] =	sst s0  }
0x9: {  	[smem:$0x3FA9] =	sst s1  }
0xa: {  	[smem:$0x3FAA] =	sst s2  }
0xb: {  	[smem:$0x3FAB] =	sst s3  }
0xc: {  	[smem:$0x3FAC] =	sst s4  }
0xd: {  	[smem:$0x3FAD] =	sst s5  }
0xe: {  	[smem:$0x3FAE] =	sst s6  }
0xf: {  	[smem:$0x3FAF] =	sst s7  }
0x10: {  	[smem:$0x3FB0] =	sst s8  }
0x11: {  	[smem:$0x3FB1] =	sst s9;
	s0 =	simm.s32 @!p0 $0x0  }
0x12: {  	s1 =	sld [smem:$0x3F97];
	s0 =	simm.s32 @p0 $0x1  }
0x13: {  	[smem:$0x3FB2] =	sst s0;
	s0 =	simm.s32 @!p1 $0x0  }
0x14: {  	s2 =	sld [smem:$0x3F96];
	s0 =	simm.s32 @p1 $0x1  }
0x15: {  	[smem:$0x3FB3] =	sst s0;
	s0 =	simm.s32 @!p2 $0x0  }
0x16: {  	s3 =	sld [smem:$0x3FDB];
	s0 =	simm.s32 @p2 $0x1  }
0x17: {  	s4 =	simm.s32 $0x1BF5;
	[smem:$0x3FB5] =	sst s0  }
0x18: {  	s0 =	sld [smem:$0x3F98];
	_ =	swait.ge [sflag:s4], $0x0  }
0x19: {  	s7 =	sld [smem:$0x3F99]  }
0x1a: {  	s8 =	sadd.s32 $0xFFFFE003, lr  }
0x1b: {  	s9 =	sadd.s32 $0xFFFFFEF7, lr;
	s5 =	simm.s32 $0xFFFFFFFF;
	p2 =	slt.u32 s8, $0xFFFFF086  }
0x1c: {  	p1 =	slt.u32 s9, $0xF7A;
	s5 =	simm.s32 @!p2 $0x0  }
0x1d: {  	s5 =	simm.s32 @p1 $0x1;
	p0 =	seq.s32 s7, s2  }
0x1e: {  	s7 =	smul.u32 @!p0 $0xF7A, s2;
	p2 =	seq.s32 @!p0 s5, $0x0  }
0x1f: {  	s9 =	smul.u32 $0xF7A, s1;
	s8 =	simm.s32 @!p0 $0x1BF5;
	p2 =	por !p2, p0  }
0x20: {  	[sflag:s8] =	ssyncset.s32 @!p0 $0xFFFFF086;
	s6 =	sadd.s32 @!p0 s3, s7;
	s7 =	simm.s32 @!p0 $0x108  }
0x21: {  	s3 =	sadd.s32 s3, s9;
	s6 =	sadd.s32 @!p0 $0x88, s6;
	s7 =	simm.s32 @p2 $0x1082  }
0x22: {  	[simem:s7], [sflag:s8] =	dma.local @!p0 [hbm:s6], $0xF7A  }
0x23: {  	s9 =	sor.u32 $0xD0000000, s2;
	s6 =	simm.s32 $0x108;
	_ =	swait.ge @!p0 [sflag:s8], $0x0  }
0x24: {  	s3 =	sadd.s32 $0x88, s3;
	s6 =	simm.s32 @!p1 $0x1082;
	[sflag:s4] =	ssyncset.s32 $0xFFFFF086  }
0x25: {  	[simem:s6], [sflag:s4] =	dma.local [hbm:s3], $0xF7A  }
0x26: {  	[smem:$0x3F99] =	sst s1;
	(tag) =	ssettag s2;
	_ =	strace s9  }
0x27: {  	s1 =	sld [smem:$0x3FA9]  }
0x28: {  	s2 =	sld [smem:$0x3FAA]  }
0x29: {  	s4 =	sld [smem:$0x3FAC]  }
0x2a: {  	p0 =	seq.s32 s5, $0x0;
	s5 =	sld [smem:$0x3FAD]  }
0x2b: {  	s6 =	sld [smem:$0x3FAE]  }
0x2c: {  	s7 =	sld [smem:$0x3FAF]  }
0x2d: {  	s3 =	simm.s32 $0x108;
	s8 =	sld [smem:$0x3FB0]  }
0x2e: {  	s3 =	simm.s32 @!p0 $0x1082;
	s9 =	sld [smem:$0x3FB1]  }
0x2f: {  	lr =	sadd.s32 s0, s3;
	s0 =	sld [smem:$0x3FA8]  }
0x30: {  	s3 =	sld [smem:$0x3FAB]  }
0x31: {  	[smem:$0x3FB4] =	sst s10  }
0x32: {  	s10 =	sld [smem:$0x3FB2];
	_ =	sdelay $0x3  }
0x33: {  	p0 =	seq.s32 s10, $0x1;
	s10 =	sld [smem:$0x3FB4];
	_ =	sdelay $0x3  }
0x34: {  	[smem:$0x3FB4] =	sst s10  }
0x35: {  	s10 =	sld [smem:$0x3FB3];
	_ =	sdelay $0x3  }
0x36: {  	p1 =	seq.s32 s10, $0x1;
	s10 =	sld [smem:$0x3FB4];
	_ =	sdelay $0x3  }
0x37: {  	[smem:$0x3FB4] =	sst s10  }
0x38: {  	s10 =	sld [smem:$0x3FB5]  }
0x39: {  	_ = 	snop;
	(pc) =	sbr.ind lr, $3  }
0x3a: {  	_ = 	snop  }
0x3b: {  	_ = 	snop  }
0x3c: {  	p2 =	seq.s32 s10, $0x1;
	s10 =	sld [smem:$0x3FB4]  }
0x3d: {  	_ =	shalt  }
0x3e: {  	_ =	shalt  }
0x3f: {  	_ =	shalt  }
0x40: {  	_ =	shalt  }
0x41: {  	_ =	shalt  }
0x42: {  	_ =	shalt  }
0x43: {  	_ =	shalt  }
0x44: {  	_ =	shalt  }
0x45: {  	_ =	shalt  }
0x46: {  	_ =	shalt  }
0x47: {  	_ =	shalt  }
0x48: {  	_ =	shalt  }
0x49: {  	_ =	shalt  }
0x4a: {  	_ =	shalt  }
0x4b: {  	_ =	shalt  }
0x4c: {  	_ =	shalt  }
0x4d: {  	_ =	shalt  }
0x4e: {  	_ =	shalt  }
0x4f: {  	_ =	shalt  }
0x50: {  	_ =	shalt  }
0x51: {  	_ =	shalt  }
0x52: {  	_ =	shalt  }
0x53: {  	_ =	shalt  }
0x54: {  	_ =	shalt  }
0x55: {  	_ =	shalt  }
0x56: {  	_ =	shalt  }
0x57: {  	_ =	shalt  }
0x58: {  	_ =	shalt  }
0x59: {  	_ =	shalt  }
0x5a: {  	_ =	shalt  }
0x5b: {  	_ =	shalt  }
0x5c: {  	_ =	shalt  }
0x5d: {  	_ =	shalt  }
0x5e: {  	_ =	shalt  }
0x5f: {  	_ =	shalt  }
0x60: {  	_ =	shalt  }
0x61: {  	_ =	shalt  }
0x62: {  	_ =	shalt  }
0x63: {  	_ =	shalt  }
0x64: {  	_ =	shalt  }
0x65: {  	_ =	shalt  }
0x66: {  	_ =	shalt  }
0x67: {  	_ =	shalt  }
0x68: {  	_ =	shalt  }
0x69: {  	_ =	shalt  }
0x6a: {  	_ =	shalt  }
0x6b: {  	_ =	shalt  }
0x6c: {  	_ =	shalt  }
0x6d: {  	_ =	shalt  }
0x6e: {  	_ =	shalt  }
0x6f: {  	_ =	shalt  }
0x70: {  	_ =	shalt  }
0x71: {  	_ =	shalt  }
0x72: {  	_ =	shalt  }
0x73: {  	_ =	shalt  }
0x74: {  	_ =	shalt  }
0x75: {  	_ =	shalt  }
0x76: {  	_ =	shalt  }
0x77: {  	_ =	shalt  }
0x78: {  	_ =	shalt  }
0x79: {  	_ =	shalt  }
0x7a: {  	_ =	shalt  }
0x7b: {  	_ =	shalt  }
0x7c: {  	_ =	shalt  }
0x7d: {  	_ =	shalt  }
0x7e: {  	_ =	shalt  }
0x7f: {  	_ =	shalt  }
0x80: {  	_ =	shalt  }
0x81: {  	_ =	shalt  }
0x82: {  	_ =	shalt  }
0x83: {  	_ =	shalt  }
0x84: {  	_ =	shalt  }
0x85: {  	_ =	shalt  }
0x86: {  	_ =	shalt  }
0x87: {  	_ =	shalt  }
.Lfunc_end0:
.L_simem_size_0:
called_computation_lowered:
.L_overlay_start_0:
0x88: {  	s2 =	sld [smem:$0x3FD9]  }
0x89: {  	s3 =	sld [smem:$0x3FFE];
	_ =	sdelay $0x1  }
0x8a: {  	s1 =	srdreg.scid  }
0x8b: {  	s0 =	sand.u32 $0x1, s1  }
0x8c: {  	s14 =	sshll.u32 s0, $0xA;
	s2 =	sadd.s32 s3, s2  }
0x8d: {  	s2 =	sadd.s32 s2, s14  }
0x8e: {  	[smem:$0x3FC0] =	sst s2  }
0x8f: {  	_ = 	snop  }
0x90: {  	s2 =	sld [smem:$0x3FD0];
	_ =	sdelay $0x2  }
0x91: {  	s15 =	simm.s32 $0xA;
	s4 =	simm.s32 $0x10  }
0x92: {  	[smem:s4], [sflag:s15] =	dma.local [hbm:s2], $0x1  }
0x93: {  	_ =	swait.eq [sflag:s15], $0x1  }
0x94: {  	[sflag:s15] =	ssyncset.done $0x0  }
0x95: {  	[sflag:s15] =	ssyncadd.s32 $0xFFFFFFFF  }
0x96: {  	s16 =	sld [smem:$0x11];
	(tm) =	ssettm $0x1  }
0x97: {  	s17 =	sld [smem:$0x3FFB];
	_ =	sdelay $0x3  }
0x98: {  	_ =	strace s17  }
0x99: {  	s3 =	sld [smem:$0x3FFC];
	_ =	sdelay $0x3  }
0x9a: {  	_ =	strace s3  }
0x9b: {  	s3 =	sld [smem:$0x3FFD];
	_ =	sdelay $0x3  }
0x9c: {  	_ =	strace s3  }
0x9d: {  	_ =	strace $0x8FFFFFFF  }
0x9e: {  	s18 =	sld [smem:$0x3FDB];
	_ =	sdelay $0x1  }
0x9f: {  	s19 =	simm.s32 $_scs_section_size  }
0xa0: {  	s5 =	simm.s32 $_size__tile_overlayer_lowered;
	s6 =	simm.s32 $_tile_overlayer_lowered  }
0xa1: {  	s22 =	simm.s32 $0x1BFF;
	s21 =	sshll.u32 s6, $0x1;
	s3 =	sadd.s32 s19, s18  }
0xa2: {  	s7 =	simm.s32 $0x0;
	s20 =	sshll.u32 s5, $0x1;
	s5 =	sadd.s32 s21, s3  }
0xa3: {  	[timem:s7], [sflag:s22] =	dma.local [hbm:s5], s20  }
0xa4: {  	_ =	swait.ge [sflag:s22], s20  }
0xa5: {  	s4 =	ssub.s32 $0x0, s20;
	[sflag:s22] =	ssyncset.done $0x0  }
0xa6: {  	[sflag:s22] =	ssyncadd.s32 s4;
	_ =	sdelay $0x1  }
0xa7: {  	s23 =	simm.s32 $0x1B8B  }
0xa8: {  	_ =	swait.ge [sflag:s23], $0x1  }
0xa9: {  	[sflag:s23] =	ssyncset.done $0x0  }
0xaa: {  	s25 =	simm.s32 $0x1B8E;
	s24 =	sld [smem:$0x3FFE];
	[sflag:s23] =	ssyncadd.s32 $0xFFFFFFFF  }
0xab: {  	s26 =	simm.s32 $execute0_lowered;
	[smem:$0x3FD2] =	sst s25  }
0xac: {  	s5 =	sshll.u32 s26, $0x1;
	_ =	strace $0x80000046;
	[dreg:$0x1] =	wrdreg $0xFFFFFFFF  }
0xad: {  	s28 =	simm.s32 $_size_execute0_lowered;
	s3 =	sadd.s32 s3, s5;
	[dreg:$0x0] =	wrdreg $0x0  }
0xae: {  	s5 =	sshll.u32 s28, $0x1;
	[dreg:$0x2] =	wrdreg s3  }
0xaf: {  	[dreg:$0x3] =	wrdreg s5  }
0xb0: {  	[dreg:$0x4] =	wrdreg $0xC0  }
0xb1: {  	_ =	task [dreg:s7], $0x5FFFF  }
0xb2: {  	[dreg:$0x1] =	wrdreg $0xFFFFFFFF  }
0xb3: {  	[dreg:$0x0] =	wrdreg $0x60  }
0xb4: {  	[dreg:$0x2] =	wrdreg s16  }
0xb5: {  	[dreg:$0x3] =	wrdreg s24  }
0xb6: {  	[dreg:$0x4] =	wrdreg $0x28800  }
0xb7: {  	[dreg:$0x5] =	wrdreg $0x9  }
0xb8: {  	_ =	task.clear_ibuf [dreg:s7], $0x6FFFF;
	_ =	strace $0x90000046  }
0xb9: {  	s29 =	simm.s32 $0x9;
	_ =	strace $0x80000048  }
0xba: {  	_ =	swait.ge [sflag:s29], $0x1  }
0xbb: {  	[sflag:s29] =	ssyncadd.s32 $0xFFFFFFFF  }
0xbc: {  	_ =	strace $0x90000048  }
0xbd: {  	_ =	sfence  }
0xbe: {  	s30 =	sld [smem:$0x0];
	_ =	sdelay $0x2  }
0xbf: {  	s31 =	sshll.u32 s1, $0xD;
	s1 =	sshrl.u32 s1, $0x2  }
0xc0: {  	s3 =	sand.u32 $0x4000, s31;
	s1 =	sadd.s32 s1, s30  }
0xc1: {  	s0 =	sor.u32 s3, s0;
	s1 =	sshll.u32 s1, $0x11  }
0xc2: {  	s0 =	sor.u32 s1, s0  }
0xc3: {  	s0 =	sadd.s32 $0x8F2B, s0  }
0xc4: {  	[sflag:s0] =	ssyncadd.remote.s32 $0x1  }
0xc5: {  	_ =	sfence.sel $0xFFFF  }
0xc6: {  	[dreg:$0x0] =	wrdreg $0xFFFFFFFF;
	(pc) =	sbr.abs _section_cstart, $3  }
0xc7: {  	[dreg:$0x1] =	wrdreg $0xFFFFFFFF  }
0xc8: {  	_ =	task.clear_ibuf [dreg:s7], $0x2FFFF;
	_ =	strace $0x9FFFFFFF  }
0xc9: {  	(tm) =	ssettm $0x7FFFFFFF  }
tec
execute0_lowered:
.L_overlay_start_1:
0x0: {  	(tag) =	ssettag $0x1  }
0x1: {  	s0 =	rddreg [dreg:$0x0]  }
0x2: {  	s3 =	rddreg [dreg:$0x1]  }
0x3: {  	s1 =	rddreg [dreg:$0x2]  }
0x4: {  	s2 =	simm.s32 $0x0;
	s4 =	srdreg.scid;
	s26 =	stileid.u32  }
0x5: {  	[smem:$0x7FF] =	sst s2;
	s14 =	sadd.s32 $0x2200, s3;
	s13 =	sand.u32 $0x1, s4  }
0x6: {  	s4 =	sadd.s32 $0x2800, s3;
	s3 =	sadd.s32 $0x2A00, s3;
	s16 =	sshll.u32 s26, $0x7  }
0x7: {  	s28 =	sshll.u32 s26, $0x4;
	s9 =	sor.u32 $0x10, s26;
	s29 =	sshll.u32 s26, $0x6  }
0x8: {  	s10 =	sor.u32 $0x20, s26;
	s18 =	sor.u32 $0x30, s26;
	s21 =	sor.u32 $0x40, s26  }
0x9: {  	_ =	strace $0x80000047;
	s5 =	ssub.s32 $0x2, s13;
	s7 =	sshll.u32 s13, $0x4  }
0xa: {  	s17 =	sshll.u32 s9, $0x7;
	s9 =	sshll.u32 s9, $0x4;
	s19 =	sshll.u32 s10, $0x7  }
0xb: {  	s11 =	sshll.u32 s10, $0x4;
	s20 =	sshll.u32 s18, $0x7;
	s18 =	sshll.u32 s18, $0x4  }
0xc: {  	s23 =	smul.u32 $0x2800, s13;
	s24 =	sshll.u32 s21, $0x7;
	s30 =	sshll.u32 s21, $0x4  }
0xd: {  	s6 =	sshrl.u32 s5, $0x1;
	s15 =	sor.u32 s26, s7;
	s7 =	sor.u32 $0x1C01, s29  }
0xe: {  	s8 =	sadd.s32 s17, s1;
	s9 =	sadd.s32 s14, s9;
	s10 =	sadd.s32 s19, s1  }
0xf: {  	s11 =	sadd.s32 s14, s11;
	s12 =	sadd.s32 s20, s1;
	s13 =	sadd.s32 s14, s18  }
0x10: {  	s22 =	ssub.s32 s5, s6;
	s5 =	sadd.s32 s16, s1;
	s6 =	sadd.s32 s14, s28  }
0x11: {  	s14 =	sadd.s32 s14, s30;
	s31 =	smul.u32 $0x500, s15;
	s16 =	sor.u32 s16, s23  }
0x12: {  	s15 =	sadd.s32 s24, s1;
	s25 =	sadd.s32 s23, s17;
	s28 =	sadd.s32 s23, s19  }
0x13: {  	s29 =	sadd.s32 s23, s20;
	s30 =	sadd.s32 s23, s24;
	s23 =	simm.s32 $0x1  }
0x14: {  	s24 =	simm.s32 $0x2800;
	s2 =	sshrl.u32 s16, $0x3;
	s26 =	sshrl.u32 s25, $0x3  }
0x15: {  	s20 =	sshrl.u32 s29, $0x3;
	s22 =	smax.u32 s22, $0x1;
	s25 =	simm.s32 $0x80  }
0x16: {  	s16 =	sadd.s32 s0, s31;
	s17 =	sadd.s32 s3, s2;
	s18 =	sadd.s32 s3, s26  }
0x17: {  	s0 =	sshrl.u32 s28, $0x3;
	s20 =	sadd.s32 s3, s20;
	s31 =	sshrl.u32 s30, $0x3  }
0x18: {  	s26 =	simm.s32 $0x0;
	s19 =	sadd.s32 s3, s0;
	s21 =	sadd.s32 s3, s31  }
.LBB2_1:
0x19: {  	s28 =	sshrl.u32 s5, $0x3  }
0x1a: {  	[spmem:s28], [sflag:s7] =	dma.local [hbm:s6], $0x10  }
0x1b: {  	_ =	swait.ge [sflag:s23], $0x10  }
0x1c: {  	[sflag:s23] =	ssyncset.done $0x0  }
0x1d: {  	s29 =	sshrl.u32 s8, $0x3;
	[sflag:s23] =	ssyncadd.s32 $0xFFFFFFF0  }
0x1e: {  	[spmem:s29], [sflag:s7] =	dma.local [hbm:s9], $0x10  }
0x1f: {  	_ =	swait.ge [sflag:s23], $0x10  }
0x20: {  	[sflag:s23] =	ssyncset.done $0x0  }
0x21: {  	s30 =	sshrl.u32 s10, $0x3;
	[sflag:s23] =	ssyncadd.s32 $0xFFFFFFF0  }
0x22: {  	[spmem:s30], [sflag:s7] =	dma.local [hbm:s11], $0x10  }
0x23: {  	_ =	swait.ge [sflag:s23], $0x10  }
0x24: {  	[sflag:s23] =	ssyncset.done $0x0  }
0x25: {  	s31 =	sshrl.u32 s12, $0x3;
	[sflag:s23] =	ssyncadd.s32 $0xFFFFFFF0  }
0x26: {  	[spmem:s31], [sflag:s7] =	dma.local [hbm:s13], $0x10  }
0x27: {  	_ =	swait.ge [sflag:s23], $0x10  }
0x28: {  	[sflag:s23] =	ssyncset.done $0x0  }
0x29: {  	s0 =	sshrl.u32 s15, $0x3;
	[sflag:s23] =	ssyncadd.s32 $0xFFFFFFF0  }
0x2a: {  	[spmem:s0], [sflag:s7] =	dma.local [hbm:s14], $0x10  }
0x2b: {  	_ =	swait.ge [sflag:s23], $0x10  }
0x2c: {  	[sflag:s23] =	ssyncset.done $0x0  }
0x2d: {  	s2 =	simm.s32 $0x0;
	[sflag:s23] =	ssyncadd.s32 $0xFFFFFFF0  }
0x2e: {  	[tilespmem:s24], [sflag:$0x1] =	stream.linear.gather [hbm4b:s4+s2], $0x80, $0x38;
	[tilespmem:$0x2B00] =	vst v63  }
0x2f: {  	_ =	swait.ge [sflag:s23], $0x80  }
0x30: {  	[sflag:s23] =	ssyncset.done $0x0  }
0x31: {  	[sflag:s23] =	ssyncadd.s32 $0xFFFFFF80  }
0x32: {  	[tilespmem:s2], [sflag:$0x1] =	stream.linear.gather [hbm4b:s16+s2], $0x2800, $0x38;
	[tilespmem:$0x2B00] =	vst v63  }
0x33: {  	_ =	swait.ge [sflag:s23], $0x2800  }
0x34: {  	[sflag:s23] =	ssyncset.done $0x0  }
0x35: {  	[sflag:s23] =	ssyncadd.s32 $0xFFFFD800  }
0x36: {  	s3 =	simm.s32 $0x0;
	[bflag:$0x0] =	sbarrier.arrive $0xFFFF  }
0x37: {  	[spmem:s1] =	stream.indirect.scatter.add.f32 [tilespmem:s24], [sflag:$0x1], $0x1, s3, s25, $0xb8;
	[tilespmem:$0x2B00] =	vst v63  }
0x38: {  	_ =	swait.ge [sflag:s23], $0x80  }
0x39: {  	s3 =	simm.s32 $0x200;
	[sflag:s23] =	ssyncset.done $0x0  }
.LBB2_2:
0x3a: {  	s2 =	sshra.s32 s3, $0x2;
	[sflag:s23] =	ssyncadd.s32 $0xFFFFFF80;
	p0 =	sne.s32 s3, $0x9E00  }
0x3b: {  	[spmem:s1] =	stream.indirect.scatter.add.f32 [tilespmem:s24], [sflag:$0x1], $0x1, s2, s25, $0xb8;
	[tilespmem:$0x2B00] =	vst v63  }
.Ltmp0:
0x3c: {  	_ = 	snop;
	(pc) =	sbr.rel @p0 .LBB2_2-.Ltmp0, $4  }
0x3d: {  	_ = 	snop  }
0x3e: {  	s3 =	sadd.s32 $0x200, s3  }
0x3f: {  	_ =	swait.ge [sflag:s23], $0x80  }
0x40: {  	[sflag:s23] =	ssyncset.done $0x0  }
0x41: {  	[sflag:s23] =	ssyncadd.s32 $0xFFFFFF80  }
0x42: {  	[bflag:$0x0] =	sbarrier.arrive $0xFFFF  }
0x43: {  	[hbm:s17], [sflag:s7] =	dma.local [spmem:s28], $0x10  }
0x44: {  	_ =	swait.ge [sflag:s23], $0x10  }
0x45: {  	[sflag:s23] =	ssyncset.done $0x0  }
0x46: {  	[sflag:s23] =	ssyncadd.s32 $0xFFFFFFF0  }
0x47: {  	[hbm:s18], [sflag:s7] =	dma.local [spmem:s29], $0x10  }
0x48: {  	_ =	swait.ge [sflag:s23], $0x10  }
0x49: {  	[sflag:s23] =	ssyncset.done $0x0  }
0x4a: {  	[sflag:s23] =	ssyncadd.s32 $0xFFFFFFF0  }
0x4b: {  	[hbm:s19], [sflag:s7] =	dma.local [spmem:s30], $0x10  }
0x4c: {  	_ =	swait.ge [sflag:s23], $0x10  }
0x4d: {  	[sflag:s23] =	ssyncset.done $0x0  }
0x4e: {  	[sflag:s23] =	ssyncadd.s32 $0xFFFFFFF0  }
0x4f: {  	[hbm:s20], [sflag:s7] =	dma.local [spmem:s31], $0x10  }
0x50: {  	s26 =	sadd.s32 $0x1, s26;
	_ =	swait.ge [sflag:s23], $0x10  }
0x51: {  	p0 =	sne.s32 s26, s22;
	[sflag:s23] =	ssyncset.done $0x0  }
.Ltmp1:
0x52: {  	[sflag:s23] =	ssyncadd.s32 $0xFFFFFFF0;
	(pc) =	sbr.rel @p0 .LBB2_1-.Ltmp1, $4  }
0x53: {  	[hbm:s21], [sflag:s7] =	dma.local [spmem:s0], $0x10  }
0x54: {  	_ =	swait.ge [sflag:s23], $0x10  }
0x55: {  	[sflag:s23] =	ssyncset.done $0x0  }
0x56: {  	[sflag:s23] =	ssyncadd.s32 $0xFFFFFFF0  }
0x57: {  	_ =	sfence.sel $0x180000  }
0x58: {  	[bflag:$0x0] =	sbarrier.arrive $0xFFFF  }
0x59: {  	_ =	strace $0x90000047  }
0x5a: {  	s0 =	stileid.u32;
	[bflag:$0x2] =	sbarrier.arrive $0xFFFF  }
0x5b: {  	p0 =	sne.s32 s0, $0x0;
	s0 =	rddreg [dreg:$0x3]  }
0x5c: {  	s0 =	sadd.s32 @!p0 $0x100000, s0  }
0x5d: {  	[sflag:s0] =	ssyncadd.tile.s32 @!p0 $0x1;
	_ =	shalt  }
.Lfunc_end2:
_tile_overlayer_lowered:
.L_overlay_start_2:
0x5e: {  	(tag) =	ssettag $0x2  }
0x5f: {  	s0 =	rddreg [dreg:$0x0];
	s2 =	stileid.u32  }
0x60: {  	s1 =	rddreg [dreg:$0x1];
	p0 =	sne.s32 s2, $0x0  }
0x61: {  	s3 =	rddreg [dreg:$0x2];
	[bflag:$0x3] =	sbarrier.arrive $0xFFFF;
	s2 =	simm.s32 @!p0 $0x1C01  }
0x62: {  	[timem:s3], [sflag:s2] =	dma.local @!p0 [hbm:s0], s1  }
0x63: {  	s0 =	simm.s32 @!p0 $0x1  }
0x64: {  	_ =	swait.ge @!p0 [sflag:s0], s1  }
0x65: {  	s1 =	ssub.s32 @!p0 $0x0, s1;
	[sflag:s0] =	ssyncset.done @!p0 $0x0  }
0x66: {  	[sflag:s0] =	ssyncadd.s32 @!p0 s1  }
0x67: {  	[bflag:$0x3] =	sbarrier.arrive $0xFFFF  }
0x68: {  	_ =	shalt  }

</sc_bundles>
